<compile_context>
chip_gen: v7x
topology: tpu7x:2x2x1
jax: 0.10.2.dev20260603
libtpu: 0.0.44.dev20260713+nightly
codegen_flags: <defaults>
</compile_context>

<pallas_src>
import functools

import numpy as np
import jax
import jax.numpy as jnp
from jax import lax
from jax.experimental import pallas as pl
from jax.experimental.pallas import tpu as pltpu
from jax.experimental.pallas import tpu_sc as plsc

N_Q = 2097152
N_KNOTS = 100001
_LO = np.float32(0.0 + 1e-4)
_HI = np.float32(1e-05 * (N_KNOTS - 1) - 1e-4)
_IV = np.float32(1e-05)
_PI = np.float32(np.pi)
_PI_2 = np.float32(np.pi / 2)

NC, NS, L = 2, 16, 16
NW = NC * NS
Q_PER_W = N_Q // NW
CHUNK = 2048
N_CHUNKS = Q_PER_W // CHUNK
G = 128
NG = CHUNK // G

_ATAN_C = [0.9999997615814209, -0.3333137035369873, 0.19963355362415314,
           -0.1399170607328415, 0.098538339138031, -0.05880045145750046,
           0.023868374526500702, -0.004610803909599781]
_SINC_C = [0.9999998807907104, -0.16666607558727264, 0.008332732133567333,
           -0.00019816691929008812, 2.7083260647486895e-06,
           -2.069596938270024e-08]
_COS_C = [1.0, -0.49999985098838806, 0.041666463017463684,
          -0.0013887732056900859, 2.4769053197815083e-05,
          -2.707544979330123e-07, 1.7243751981865785e-09]


def _horner(coefs, z):
    acc = jnp.full((L,), np.float32(coefs[-1]), jnp.float32)
    for c in coefs[-2::-1]:
        acc = acc * z + np.float32(c)
    return acc


def _rsqrt(x):
    i = plsc.bitcast(x, jnp.int32)
    y = plsc.bitcast(jnp.int32(0x5F3759DF) - lax.shift_right_logical(i, 1),
                     jnp.float32)
    for _ in range(2):
        y = y * (np.float32(1.5) - np.float32(0.5) * x * y * y)
    return y


def _quat_mul16(ax, ay, az, aw, bx, by, bz, bw):
    x = aw * bx + ax * bw + ay * bz - az * by
    y = aw * by - ax * bz + ay * bw + az * bx
    z = aw * bz + ax * by - ay * bx + az * bw
    w = aw * bw - ax * bx - ay * by - az * bz
    return x, y, z, w


def _spline_body(ts_hbm, knots_hbm, out_hbm, ts_v, idx_v, jdx_v, u_v,
                 rows0_v, rows1_v, out_v, gsem):
    wid = lax.axis_index("s") * NC + lax.axis_index("c")
    base_w = wid * Q_PER_W

    def chunk_body(ci, carry):
        base = base_w + ci * CHUNK
        pltpu.sync_copy(ts_hbm.at[pl.ds(base, CHUNK)], ts_v)

        def pass_a(i, c):
            t = ts_v[pl.ds(i * L, L)]
            tc = jnp.minimum(jnp.maximum(t, _LO), _HI)
            norm = tc / _IV
            st = norm.astype(jnp.int32)
            u_v[pl.ds(i * L, L)] = norm - st.astype(jnp.float32)
            idx_v[pl.ds(i * L, L)] = st
            jdx_v[pl.ds(i * L, L)] = st + 1
            return c

        lax.fori_loop(0, CHUNK // L, pass_a, 0)

        copies = []
        for g in range(NG):
            cp = pltpu.make_async_copy(
                knots_hbm.at[idx_v.at[pl.ds(g * G, G)]],
                rows0_v.at[pl.ds(g * G, G)], gsem)
            cp.start()
            copies.append(cp)
            cp = pltpu.make_async_copy(
                knots_hbm.at[jdx_v.at[pl.ds(g * G, G)]],
                rows1_v.at[pl.ds(g * G, G)], gsem)
            cp.start()
            copies.append(cp)
        for cp in copies:
            cp.wait()

        def interp16(r0):
            rid = lax.broadcasted_iota(jnp.int32, (L,), 0) + r0

            def col(rows, cc):
                idxc = jnp.full((L,), cc, jnp.int32)
                return plsc.load_gather(rows, [rid, idxc])

            u = u_v[pl.ds(r0, L)]
            t0x, t0y, t0z = col(rows0_v, 0), col(rows0_v, 1), col(rows0_v, 2)
            q0x, q0y, q0z, q0w = (col(rows0_v, 3), col(rows0_v, 4),
                                  col(rows0_v, 5), col(rows0_v, 6))
            t1x, t1y, t1z = col(rows1_v, 0), col(rows1_v, 1), col(rows1_v, 2)
            q1x, q1y, q1z, q1w = (col(rows1_v, 3), col(rows1_v, 4),
                                  col(rows1_v, 5), col(rows1_v, 6))

            ox = t0x + u * (t1x - t0x)
            oy = t0y + u * (t1y - t0y)
            oz = t0z + u * (t1z - t0z)

            rx, ry, rz, rw = _quat_mul16(-q0x, -q0y, -q0z, q0w,
                                         q1x, q1y, q1z, q1w)
            vv = rx * rx + ry * ry + rz * rz + np.float32(1e-30)
            rn = _rsqrt(vv)
            n = vv * rn
            wa = jnp.abs(rw)
            mn = jnp.minimum(n, wa)
            mx = jnp.maximum(n, wa)
            t = mn / mx
            a = t * _horner(_ATAN_C, t * t)
            a = jnp.where(n > wa, _PI_2 - a, a)
            a = jnp.where(rw < np.float32(0.0), _PI - a, a)
            angle = np.float32(2.0) * a
            scale = angle * rn
            us = u * scale
            px, py, pz = rx * us, ry * us, rz * us
            half = np.float32(0.5) * (u * angle)
            h2 = half * half
            s = np.float32(0.5) * _horner(_SINC_C, h2)
            wq = _horner(_COS_C, h2)
            qx, qy, qz, qw = _quat_mul16(q0x, q0y, q0z, q0w,
                                         px * s, py * s, pz * s, wq)

            for cc, val in ((0, ox), (1, oy), (2, oz),
                            (3, qx), (4, qy), (5, qz), (6, qw)):
                plsc.store_scatter(out_v, [rid, jnp.full((L,), cc, jnp.int32)], val)

        def pass_b(i, c):
            interp16(i * (2 * L))
            interp16(i * (2 * L) + L)
            return c

        lax.fori_loop(0, CHUNK // (2 * L), pass_b, 0)
        pltpu.sync_copy(out_v, out_hbm.at[pl.ds(base, CHUNK)])
        return carry

    lax.fori_loop(0, N_CHUNKS, chunk_body, 0)


_spline_call = functools.partial(
    pl.kernel,
    mesh=plsc.VectorSubcoreMesh(core_axis_name="c", subcore_axis_name="s"),
    compiler_params=pltpu.CompilerParams(needs_layout_passes=False,
                                         use_tc_tiling_on_sc=False),
    out_type=jax.ShapeDtypeStruct((N_Q, 7), jnp.float32),
    scratch_types=[
        pltpu.VMEM((CHUNK,), jnp.float32),
        pltpu.VMEM((CHUNK,), jnp.int32),
        pltpu.VMEM((CHUNK,), jnp.int32),
        pltpu.VMEM((CHUNK,), jnp.float32),
        pltpu.VMEM((CHUNK, 8), jnp.float32),
        pltpu.VMEM((CHUNK, 8), jnp.float32),
        pltpu.VMEM((CHUNK, 7), jnp.float32),
        pltpu.SemaphoreType.DMA,
    ],
)(_spline_body)


def kernel(timestamps, knots):
    knots8 = jnp.pad(knots, ((0, 0), (0, 1)))
    return _spline_call(timestamps, knots8)

# --- scband reference (transcript-rebuilt; emitter-appended) ---
"""Pipeline reference for scband-spline-19602230739910 (READ-ONLY COPY).

The authoritative reference and input builder live on the scoring server;
editing this copy changes nothing except your own understanding.
"""

import jax, jax.numpy as jnp
import numpy as np

NUM_KNOTS = 100001
INTERVAL = 1e-05
START_TIME = 0.0
EPS = 1e-04
N_QUERIES = 2097152


def _quat_mul(a, b):
    ax, ay, az, aw = a[..., 0], a[..., 1], a[..., 2], a[..., 3]
    bx, by, bz, bw = b[..., 0], b[..., 1], b[..., 2], b[..., 3]
    x = aw * bx + ax * bw + ay * bz - az * by
    y = aw * by - ax * bz + ay * bw + az * bx
    z = aw * bz + ax * by - ay * bx + az * bw
    w = aw * bw - ax * bx - ay * by - az * bz
    return jnp.stack([x, y, z, w], axis=-1)


def _quat_conj(q):
    return jnp.concatenate([-q[..., :3], q[..., 3:4]], axis=-1)


def _so3_log(q):
    # pypose xyzw convention; returns axis-angle so(3) vector
    v = q[..., :3]
    w = q[..., 3]
    n = jnp.sqrt(jnp.sum(v * v, axis=-1) + 1e-30)
    angle = 2.0 * jnp.arctan2(n, w)
    scale = angle / n
    return v * scale[..., None]


def _so3_exp(phi):
    theta = jnp.sqrt(jnp.sum(phi * phi, axis=-1) + 1e-30)
    half = 0.5 * theta
    s = jnp.sin(half) / theta
    xyz = phi * s[..., None]
    w = jnp.cos(half)
    return jnp.concatenate([xyz, w[..., None]], axis=-1)


def setup_inputs(seed: int = 0) -> dict:
    key = jax.random.key(seed)
    k1, k2, k3 = jax.random.split(key, 3)
    timestamps = jax.random.uniform(k1, (N_QUERIES,), dtype=jnp.float32, minval=0.0, maxval=1.0)
    trans = jax.random.normal(k2, (NUM_KNOTS, 3), dtype=jnp.float32)
    quat = jax.random.normal(k3, (NUM_KNOTS, 4), dtype=jnp.float32)
    quat = quat / jnp.linalg.norm(quat, axis=-1, keepdims=True)
    knots = jnp.concatenate([trans, quat], axis=-1)  # SE3 data [num_knots, 7] (tx,ty,tz,qx,qy,qz,qw)
    return {"timestamps": timestamps, "knots": knots}


def reference(timestamps, knots):
    # Spline.forward with degree=1 (linear SE(3) interpolation), optimizer mode 'off'
    t_upper = START_TIME + INTERVAL * (NUM_KNOTS - 1)
    ts = jnp.clip(timestamps, START_TIME + EPS, t_upper - EPS)
    norm_t = (ts - START_TIME) / INTERVAL
    start_index = jnp.floor(norm_t).astype(jnp.int32)
    u = (norm_t - start_index.astype(norm_t.dtype))[:, None]  # [N, 1]
    idx = start_index[:, None] + jnp.arange(2, dtype=jnp.int32)[None, :]  # [N, order=2]
    segment = jnp.take(knots, idx, axis=0)  # gather: [N, 2, 7]
    p0 = segment[:, 0, :]
    p1 = segment[:, 1, :]
    t0 = p0[:, :3]
    t1 = p1[:, :3]
    trans = t0[:, None, :] + u[:, :, None] * (t1 - t0)[:, None, :]  # [N, 1, 3]
    q0 = p0[:, 3:]
    q1 = p1[:, 3:]
    q_rel = _quat_mul(_quat_conj(q0), q1)
    log_rel = _so3_log(q_rel)  # [N, 3]
    q_u = _so3_exp(u[:, :, None] * log_rel[:, None, :])  # [N, 1, 4]
    q = _quat_mul(jnp.broadcast_to(q0[:, None, :], q_u.shape), q_u)  # [N, 1, 4]
    poses = jnp.concatenate([trans, q], axis=-1)  # [N, 1, 7]
    return jnp.squeeze(poses, axis=1)  # [N, 7]

if __name__ == "__main__":
    import jax
    _d = setup_inputs()
    print(jax.jit(kernel)(*tuple(_d.values())))

</pallas_src>

<mosaic_0001>
#map = affine_map<(d0, d1) -> (0)>
#map1 = affine_map<(d0, d1) -> (0, 0)>
module attributes {stable_mosaic.version = 14 : i64} {
  func.func @_spline_body(%arg0: i32, %arg1: i32, %arg2: memref<2097152xf32, #tpu.memory_space<hbm>>, %arg3: memref<100001x8xf32, #tpu.memory_space<hbm>>, %arg4: memref<2097152x7xf32, #tpu.memory_space<hbm>>, %arg5: memref<2048xf32, #tpu.memory_space<vmem>>, %arg6: memref<2048xi32, #tpu.memory_space<vmem>>, %arg7: memref<2048xi32, #tpu.memory_space<vmem>>, %arg8: memref<2048xf32, #tpu.memory_space<vmem>>, %arg9: memref<2048x8xf32, #tpu.memory_space<vmem>>, %arg10: memref<2048x8xf32, #tpu.memory_space<vmem>>, %arg11: memref<2048x7xf32, #tpu.memory_space<vmem>>, %arg12: memref<!tpu.dma_semaphore, #tpu.memory_space<semaphore_mem>>) attributes {dimension_semantics = [#tpu.dimension_semantics<core_parallel>, #tpu.dimension_semantics<subcore_parallel>], iteration_bounds = array<i64: 2, 16>, scalar_prefetch = 0 : i64, scratch_operands = 8 : i64, tpu.core_type = #tpu.core_type<sc_vector_subcore>, window_params = [{transform_indices = #map}, {transform_indices = #map1}, {transform_indices = #map1}]} {
    %mul3A = arith.constant 2 : i32
    %mul3A_0 = arith.muli %arg1, %mul3A : i32
    %add3A = arith.addi %mul3A_0, %arg0 : i32
    %mul3A_1 = arith.constant 65536 : i32
    %mul3A_2 = arith.muli %add3A, %mul3A_1 : i32
    %scan3A = arith.constant 0 : i32
    %scan3A_3 = arith.constant 0 : i32
    %scan3A_4 = arith.constant 32 : i32
    %scan3A_5 = arith.addi %scan3A_3, %scan3A_4 : i32
    %scan3A_6 = arith.constant 1 : i32
    scf.for %scan3A_8 = %scan3A_3 to %scan3A_5 step %scan3A_6  : i32 {
      %mul3A_9 = arith.constant 2048 : i32
      %mul3A_10 = arith.muli %scan3A_8, %mul3A_9 : i32
      %add3A_11 = arith.addi %mul3A_2, %mul3A_10 : i32
      "tpu.region"() ({
        %run_scoped3A = tpu.sem_alloc : memref<!tpu.dma_semaphore, #tpu.memory_space<semaphore_mem>>
        %dma_start3A_534 = tpu.memref_slice %arg2[%add3A_11] : memref<2097152xf32, #tpu.memory_space<hbm>> -> memref<2048xf32, #tpu.memory_space<hbm>>
        %dma_start3A_535 = tpu.memref_slice %arg2[%add3A_11] : memref<2097152xf32, #tpu.memory_space<hbm>> -> memref<2048xf32, #tpu.memory_space<hbm>>
        tpu.enqueue_dma source(%dma_start3A_535 : memref<2048xf32, #tpu.memory_space<hbm>>) target(%arg5 : memref<2048xf32, #tpu.memory_space<vmem>>) target_semaphore(%run_scoped3A : memref<!tpu.dma_semaphore, #tpu.memory_space<semaphore_mem>>)
        %dma_wait3A_536 = tpu.memref_slice %arg2[%add3A_11] : memref<2097152xf32, #tpu.memory_space<hbm>> -> memref<2048xf32, #tpu.memory_space<hbm>>
        %dma_wait3A_537 = tpu.memref_slice %arg2[%add3A_11] : memref<2097152xf32, #tpu.memory_space<hbm>> -> memref<2048xf32, #tpu.memory_space<hbm>>
        tpu.wait_dma2 semaphore(%run_scoped3A : memref<!tpu.dma_semaphore, #tpu.memory_space<semaphore_mem>>) src(%dma_wait3A_537 : memref<2048xf32, #tpu.memory_space<hbm>>) dst(%arg5 : memref<2048xf32, #tpu.memory_space<vmem>>)
        tpu.yield
      }) : () -> ()
      %scan3A_12 = arith.constant 0 : i32
      %scan3A_13 = arith.constant 0 : i32
      %scan3A_14 = arith.constant 128 : i32
      %scan3A_15 = arith.addi %scan3A_13, %scan3A_14 : i32
      %scan3A_16 = arith.constant 1 : i32
      scf.for %scan3A_534 = %scan3A_13 to %scan3A_15 step %scan3A_16  : i32 {
        %mul3A_535 = arith.constant 16 : i32
        %mul3A_536 = arith.muli %scan3A_534, %mul3A_535 : i32
        %get3A = arith.index_cast %mul3A_536 : i32 to index
        %get3A_537 = tpu.vector_load %arg5[%get3A] {strides = array<i32>} : memref<2048xf32, #tpu.memory_space<vmem>>, vector<16xf32>,
        %max3A = arith.constant 9.99999974E-5 : f32
        %max3A_538 = vector.broadcast %max3A : f32 to vector<16xf32>
        %max3A_539 = arith.maximumf %get3A_537, %max3A_538 : vector<16xf32>
        %min3A = arith.constant 0.999899983 : f32
        %min3A_540 = vector.broadcast %min3A : f32 to vector<16xf32>
        %min3A_541 = arith.minimumf %max3A_539, %min3A_540 : vector<16xf32>
        %div3A = arith.constant 9.99999974E-6 : f32
        %div3A_542 = vector.broadcast %div3A : f32 to vector<16xf32>
        %div3A_543 = arith.divf %min3A_541, %div3A_542 : vector<16xf32>
        %convert_element_type3A = arith.fptosi %div3A_543 : vector<16xf32> to vector<16xi32>
        %convert_element_type3A_544 = arith.sitofp %convert_element_type3A : vector<16xi32> to vector<16xf32>
        %sub3A = arith.subf %div3A_543, %convert_element_type3A_544 : vector<16xf32>
        %mul3A_545 = arith.constant 16 : i32
        %mul3A_546 = arith.muli %scan3A_534, %mul3A_545 : i32
        %swap3A = arith.index_cast %mul3A_546 : i32 to index
        %swap3A_547 = tpu.vector_load %arg8[%swap3A] {strides = array<i32>} : memref<2048xf32, #tpu.memory_space<vmem>>, vector<16xf32>,
        tpu.vector_store %arg8[%swap3A], %sub3A {strides = array<i32>} : memref<2048xf32, #tpu.memory_space<vmem>>, vector<16xf32>,
        %mul3A_548 = arith.constant 16 : i32
        %mul3A_549 = arith.muli %scan3A_534, %mul3A_548 : i32
        %swap3A_550 = arith.index_cast %mul3A_549 : i32 to index
        %swap3A_551 = tpu.vector_load %arg6[%swap3A_550] {strides = array<i32>} : memref<2048xi32, #tpu.memory_space<vmem>>, vector<16xi32>,
        tpu.vector_store %arg6[%swap3A_550], %convert_element_type3A {strides = array<i32>} : memref<2048xi32, #tpu.memory_space<vmem>>, vector<16xi32>,
        %add3A_552 = arith.constant 1 : i32
        %add3A_553 = vector.broadcast %add3A_552 : i32 to vector<16xi32>
        %add3A_554 = arith.addi %convert_element_type3A, %add3A_553 : vector<16xi32>
        %mul3A_555 = arith.constant 16 : i32
        %mul3A_556 = arith.muli %scan3A_534, %mul3A_555 : i32
        %swap3A_557 = arith.index_cast %mul3A_556 : i32 to index
        %swap3A_558 = tpu.vector_load %arg7[%swap3A_557] {strides = array<i32>} : memref<2048xi32, #tpu.memory_space<vmem>>, vector<16xi32>,
        tpu.vector_store %arg7[%swap3A_557], %add3A_554 {strides = array<i32>} : memref<2048xi32, #tpu.memory_space<vmem>>, vector<16xi32>,
      }
      %scan3A_17 = arith.constant 128 : i32
      %dma_start3A = arith.constant 0 : i32
      %dma_start3A_18 = arith.constant 0 : i32
      %dma_start3A_19 = tpu.memref_slice %arg9[%dma_start3A, %dma_start3A_18] : memref<2048x8xf32, #tpu.memory_space<vmem>> -> memref<128x8xf32, #tpu.memory_space<vmem>>
      %dma_start3A_20 = arith.constant 0 : i32
      %dma_start3A_21 = tpu.memref_slice %arg6[%dma_start3A_20] : memref<2048xi32, #tpu.memory_space<vmem>> -> memref<128xi32, #tpu.memory_space<vmem>>
      %dma_start3A_22 = arith.constant 0 : i32
      %dma_start3A_23 = arith.constant 0 : i32
      %dma_start3A_24 = tpu.memref_slice %arg3[%dma_start3A_22, %dma_start3A_23] : memref<100001x8xf32, #tpu.memory_space<hbm>> -> memref<100001x8xf32, #tpu.memory_space<hbm>>
      tpu.enqueue_indirect_dma source(%dma_start3A_24 : memref<100001x8xf32, #tpu.memory_space<hbm>>) target(%dma_start3A_19 : memref<128x8xf32, #tpu.memory_space<vmem>>) offsets(%dma_start3A_21 : memref<128xi32, #tpu.memory_space<vmem>>) semaphore(%arg12 : memref<!tpu.dma_semaphore, #tpu.memory_space<semaphore_mem>>)
      %dma_start3A_25 = arith.constant 0 : i32
      %dma_start3A_26 = arith.constant 0 : i32
      %dma_start3A_27 = tpu.memref_slice %arg10[%dma_start3A_25, %dma_start3A_26] : memref<2048x8xf32, #tpu.memory_space<vmem>> -> memref<128x8xf32, #tpu.memory_space<vmem>>
      %dma_start3A_28 = arith.constant 0 : i32
      %dma_start3A_29 = tpu.memref_slice %arg7[%dma_start3A_28] : memref<2048xi32, #tpu.memory_space<vmem>> -> memref<128xi32, #tpu.memory_space<vmem>>
      %dma_start3A_30 = arith.constant 0 : i32
      %dma_start3A_31 = arith.constant 0 : i32
      %dma_start3A_32 = tpu.memref_slice %arg3[%dma_start3A_30, %dma_start3A_31] : memref<100001x8xf32, #tpu.memory_space<hbm>> -> memref<100001x8xf32, #tpu.memory_space<hbm>>
      tpu.enqueue_indirect_dma source(%dma_start3A_32 : memref<100001x8xf32, #tpu.memory_space<hbm>>) target(%dma_start3A_27 : memref<128x8xf32, #tpu.memory_space<vmem>>) offsets(%dma_start3A_29 : memref<128xi32, #tpu.memory_space<vmem>>) semaphore(%arg12 : memref<!tpu.dma_semaphore, #tpu.memory_space<semaphore_mem>>)
      %dma_start3A_33 = arith.constant 128 : i32
      %dma_start3A_34 = arith.constant 0 : i32
      %dma_start3A_35 = tpu.memref_slice %arg9[%dma_start3A_33, %dma_start3A_34] : memref<2048x8xf32, #tpu.memory_space<vmem>> -> memref<128x8xf32, #tpu.memory_space<vmem>>
      %dma_start3A_36 = arith.constant 128 : i32
      %dma_start3A_37 = tpu.memref_slice %arg6[%dma_start3A_36] : memref<2048xi32, #tpu.memory_space<vmem>> -> memref<128xi32, #tpu.memory_space<vmem>>
      %dma_start3A_38 = arith.constant 0 : i32
      %dma_start3A_39 = arith.constant 0 : i32
      %dma_start3A_40 = tpu.memref_slice %arg3[%dma_start3A_38, %dma_start3A_39] : memref<100001x8xf32, #tpu.memory_space<hbm>> -> memref<100001x8xf32, #tpu.memory_space<hbm>>
      tpu.enqueue_indirect_dma source(%dma_start3A_40 : memref<100001x8xf32, #tpu.memory_space<hbm>>) target(%dma_start3A_35 : memref<128x8xf32, #tpu.memory_space<vmem>>) offsets(%dma_start3A_37 : memref<128xi32, #tpu.memory_space<vmem>>) semaphore(%arg12 : memref<!tpu.dma_semaphore, #tpu.memory_space<semaphore_mem>>)
      %dma_start3A_41 = arith.constant 128 : i32
      %dma_start3A_42 = arith.constant 0 : i32
      %dma_start3A_43 = tpu.memref_slice %arg10[%dma_start3A_41, %dma_start3A_42] : memref<2048x8xf32, #tpu.memory_space<vmem>> -> memref<128x8xf32, #tpu.memory_space<vmem>>
      %dma_start3A_44 = arith.constant 128 : i32
      %dma_start3A_45 = tpu.memref_slice %arg7[%dma_start3A_44] : memref<2048xi32, #tpu.memory_space<vmem>> -> memref<128xi32, #tpu.memory_space<vmem>>
      %dma_start3A_46 = arith.constant 0 : i32
      %dma_start3A_47 = arith.constant 0 : i32
      %dma_start3A_48 = tpu.memref_slice %arg3[%dma_start3A_46, %dma_start3A_47] : memref<100001x8xf32, #tpu.memory_space<hbm>> -> memref<100001x8xf32, #tpu.memory_space<hbm>>
      tpu.enqueue_indirect_dma source(%dma_start3A_48 : memref<100001x8xf32, #tpu.memory_space<hbm>>) target(%dma_start3A_43 : memref<128x8xf32, #tpu.memory_space<vmem>>) offsets(%dma_start3A_45 : memref<128xi32, #tpu.memory_space<vmem>>) semaphore(%arg12 : memref<!tpu.dma_semaphore, #tpu.memory_space<semaphore_mem>>)
      %dma_start3A_49 = arith.constant 256 : i32
      %dma_start3A_50 = arith.constant 0 : i32
      %dma_start3A_51 = tpu.memref_slice %arg9[%dma_start3A_49, %dma_start3A_50] : memref<2048x8xf32, #tpu.memory_space<vmem>> -> memref<128x8xf32, #tpu.memory_space<vmem>>
      %dma_start3A_52 = arith.constant 256 : i32
      %dma_start3A_53 = tpu.memref_slice %arg6[%dma_start3A_52] : memref<2048xi32, #tpu.memory_space<vmem>> -> memref<128xi32, #tpu.memory_space<vmem>>
      %dma_start3A_54 = arith.constant 0 : i32
      %dma_start3A_55 = arith.constant 0 : i32
      %dma_start3A_56 = tpu.memref_slice %arg3[%dma_start3A_54, %dma_start3A_55] : memref<100001x8xf32, #tpu.memory_space<hbm>> -> memref<100001x8xf32, #tpu.memory_space<hbm>>
      tpu.enqueue_indirect_dma source(%dma_start3A_56 : memref<100001x8xf32, #tpu.memory_space<hbm>>) target(%dma_start3A_51 : memref<128x8xf32, #tpu.memory_space<vmem>>) offsets(%dma_start3A_53 : memref<128xi32, #tpu.memory_space<vmem>>) semaphore(%arg12 : memref<!tpu.dma_semaphore, #tpu.memory_space<semaphore_mem>>)
      %dma_start3A_57 = arith.constant 256 : i32
      %dma_start3A_58 = arith.constant 0 : i32
      %dma_start3A_59 = tpu.memref_slice %arg10[%dma_start3A_57, %dma_start3A_58] : memref<2048x8xf32, #tpu.memory_space<vmem>> -> memref<128x8xf32, #tpu.memory_space<vmem>>
      %dma_start3A_60 = arith.constant 256 : i32
      %dma_start3A_61 = tpu.memref_slice %arg7[%dma_start3A_60] : memref<2048xi32, #tpu.memory_space<vmem>> -> memref<128xi32, #tpu.memory_space<vmem>>
      %dma_start3A_62 = arith.constant 0 : i32
      %dma_start3A_63 = arith.constant 0 : i32
      %dma_start3A_64 = tpu.memref_slice %arg3[%dma_start3A_62, %dma_start3A_63] : memref<100001x8xf32, #tpu.memory_space<hbm>> -> memref<100001x8xf32, #tpu.memory_space<hbm>>
      tpu.enqueue_indirect_dma source(%dma_start3A_64 : memref<100001x8xf32, #tpu.memory_space<hbm>>) target(%dma_start3A_59 : memref<128x8xf32, #tpu.memory_space<vmem>>) offsets(%dma_start3A_61 : memref<128xi32, #tpu.memory_space<vmem>>) semaphore(%arg12 : memref<!tpu.dma_semaphore, #tpu.memory_space<semaphore_mem>>)
      %dma_start3A_65 = arith.constant 384 : i32
      %dma_start3A_66 = arith.constant 0 : i32
      %dma_start3A_67 = tpu.memref_slice %arg9[%dma_start3A_65, %dma_start3A_66] : memref<2048x8xf32, #tpu.memory_space<vmem>> -> memref<128x8xf32, #tpu.memory_space<vmem>>
      %dma_start3A_68 = arith.constant 384 : i32
      %dma_start3A_69 = tpu.memref_slice %arg6[%dma_start3A_68] : memref<2048xi32, #tpu.memory_space<vmem>> -> memref<128xi32, #tpu.memory_space<vmem>>
      %dma_start3A_70 = arith.constant 0 : i32
      %dma_start3A_71 = arith.constant 0 : i32
      %dma_start3A_72 = tpu.memref_slice %arg3[%dma_start3A_70, %dma_start3A_71] : memref<100001x8xf32, #tpu.memory_space<hbm>> -> memref<100001x8xf32, #tpu.memory_space<hbm>>
      tpu.enqueue_indirect_dma source(%dma_start3A_72 : memref<100001x8xf32, #tpu.memory_space<hbm>>) target(%dma_start3A_67 : memref<128x8xf32, #tpu.memory_space<vmem>>) offsets(%dma_start3A_69 : memref<128xi32, #tpu.memory_space<vmem>>) semaphore(%arg12 : memref<!tpu.dma_semaphore, #tpu.memory_space<semaphore_mem>>)
      %dma_start3A_73 = arith.constant 384 : i32
      %dma_start3A_74 = arith.constant 0 : i32
      %dma_start3A_75 = tpu.memref_slice %arg10[%dma_start3A_73, %dma_start3A_74] : memref<2048x8xf32, #tpu.memory_space<vmem>> -> memref<128x8xf32, #tpu.memory_space<vmem>>
      %dma_start3A_76 = arith.constant 384 : i32
      %dma_start3A_77 = tpu.memref_slice %arg7[%dma_start3A_76] : memref<2048xi32, #tpu.memory_space<vmem>> -> memref<128xi32, #tpu.memory_space<vmem>>
      %dma_start3A_78 = arith.constant 0 : i32
      %dma_start3A_79 = arith.constant 0 : i32
      %dma_start3A_80 = tpu.memref_slice %arg3[%dma_start3A_78, %dma_start3A_79] : memref<100001x8xf32, #tpu.memory_space<hbm>> -> memref<100001x8xf32, #tpu.memory_space<hbm>>
      tpu.enqueue_indirect_dma source(%dma_start3A_80 : memref<100001x8xf32, #tpu.memory_space<hbm>>) target(%dma_start3A_75 : memref<128x8xf32, #tpu.memory_space<vmem>>) offsets(%dma_start3A_77 : memref<128xi32, #tpu.memory_space<vmem>>) semaphore(%arg12 : memref<!tpu.dma_semaphore, #tpu.memory_space<semaphore_mem>>)
      %dma_start3A_81 = arith.constant 512 : i32
      %dma_start3A_82 = arith.constant 0 : i32
      %dma_start3A_83 = tpu.memref_slice %arg9[%dma_start3A_81, %dma_start3A_82] : memref<2048x8xf32, #tpu.memory_space<vmem>> -> memref<128x8xf32, #tpu.memory_space<vmem>>
      %dma_start3A_84 = arith.constant 512 : i32
      %dma_start3A_85 = tpu.memref_slice %arg6[%dma_start3A_84] : memref<2048xi32, #tpu.memory_space<vmem>> -> memref<128xi32, #tpu.memory_space<vmem>>
      %dma_start3A_86 = arith.constant 0 : i32
      %dma_start3A_87 = arith.constant 0 : i32
      %dma_start3A_88 = tpu.memref_slice %arg3[%dma_start3A_86, %dma_start3A_87] : memref<100001x8xf32, #tpu.memory_space<hbm>> -> memref<100001x8xf32, #tpu.memory_space<hbm>>
      tpu.enqueue_indirect_dma source(%dma_start3A_88 : memref<100001x8xf32, #tpu.memory_space<hbm>>) target(%dma_start3A_83 : memref<128x8xf32, #tpu.memory_space<vmem>>) offsets(%dma_start3A_85 : memref<128xi32, #tpu.memory_space<vmem>>) semaphore(%arg12 : memref<!tpu.dma_semaphore, #tpu.memory_space<semaphore_mem>>)
      %dma_start3A_89 = arith.constant 512 : i32
      %dma_start3A_90 = arith.constant 0 : i32
      %dma_start3A_91 = tpu.memref_slice %arg10[%dma_start3A_89, %dma_start3A_90] : memref<2048x8xf32, #tpu.memory_space<vmem>> -> memref<128x8xf32, #tpu.memory_space<vmem>>
      %dma_start3A_92 = arith.constant 512 : i32
      %dma_start3A_93 = tpu.memref_slice %arg7[%dma_start3A_92] : memref<2048xi32, #tpu.memory_space<vmem>> -> memref<128xi32, #tpu.memory_space<vmem>>
      %dma_start3A_94 = arith.constant 0 : i32
      %dma_start3A_95 = arith.constant 0 : i32
      %dma_start3A_96 = tpu.memref_slice %arg3[%dma_start3A_94, %dma_start3A_95] : memref<100001x8xf32, #tpu.memory_space<hbm>> -> memref<100001x8xf32, #tpu.memory_space<hbm>>
      tpu.enqueue_indirect_dma source(%dma_start3A_96 : memref<100001x8xf32, #tpu.memory_space<hbm>>) target(%dma_start3A_91 : memref<128x8xf32, #tpu.memory_space<vmem>>) offsets(%dma_start3A_93 : memref<128xi32, #tpu.memory_space<vmem>>) semaphore(%arg12 : memref<!tpu.dma_semaphore, #tpu.memory_space<semaphore_mem>>)
      %dma_start3A_97 = arith.constant 640 : i32
      %dma_start3A_98 = arith.constant 0 : i32
      %dma_start3A_99 = tpu.memref_slice %arg9[%dma_start3A_97, %dma_start3A_98] : memref<2048x8xf32, #tpu.memory_space<vmem>> -> memref<128x8xf32, #tpu.memory_space<vmem>>
      %dma_start3A_100 = arith.constant 640 : i32
      %dma_start3A_101 = tpu.memref_slice %arg6[%dma_start3A_100] : memref<2048xi32, #tpu.memory_space<vmem>> -> memref<128xi32, #tpu.memory_space<vmem>>
      %dma_start3A_102 = arith.constant 0 : i32
      %dma_start3A_103 = arith.constant 0 : i32
      %dma_start3A_104 = tpu.memref_slice %arg3[%dma_start3A_102, %dma_start3A_103] : memref<100001x8xf32, #tpu.memory_space<hbm>> -> memref<100001x8xf32, #tpu.memory_space<hbm>>
      tpu.enqueue_indirect_dma source(%dma_start3A_104 : memref<100001x8xf32, #tpu.memory_space<hbm>>) target(%dma_start3A_99 : memref<128x8xf32, #tpu.memory_space<vmem>>) offsets(%dma_start3A_101 : memref<128xi32, #tpu.memory_space<vmem>>) semaphore(%arg12 : memref<!tpu.dma_semaphore, #tpu.memory_space<semaphore_mem>>)
      %dma_start3A_105 = arith.constant 640 : i32
      %dma_start3A_106 = arith.constant 0 : i32
      %dma_start3A_107 = tpu.memref_slice %arg10[%dma_start3A_105, %dma_start3A_106] : memref<2048x8xf32, #tpu.memory_space<vmem>> -> memref<128x8xf32, #tpu.memory_space<vmem>>
      %dma_start3A_108 = arith.constant 640 : i32
      %dma_start3A_109 = tpu.memref_slice %arg7[%dma_start3A_108] : memref<2048xi32, #tpu.memory_space<vmem>> -> memref<128xi32, #tpu.memory_space<vmem>>
      %dma_start3A_110 = arith.constant 0 : i32
      %dma_start3A_111 = arith.constant 0 : i32
      %dma_start3A_112 = tpu.memref_slice %arg3[%dma_start3A_110, %dma_start3A_111] : memref<100001x8xf32, #tpu.memory_space<hbm>> -> memref<100001x8xf32, #tpu.memory_space<hbm>>
      tpu.enqueue_indirect_dma source(%dma_start3A_112 : memref<100001x8xf32, #tpu.memory_space<hbm>>) target(%dma_start3A_107 : memref<128x8xf32, #tpu.memory_space<vmem>>) offsets(%dma_start3A_109 : memref<128xi32, #tpu.memory_space<vmem>>) semaphore(%arg12 : memref<!tpu.dma_semaphore, #tpu.memory_space<semaphore_mem>>)
      %dma_start3A_113 = arith.constant 768 : i32
      %dma_start3A_114 = arith.constant 0 : i32
      %dma_start3A_115 = tpu.memref_slice %arg9[%dma_start3A_113, %dma_start3A_114] : memref<2048x8xf32, #tpu.memory_space<vmem>> -> memref<128x8xf32, #tpu.memory_space<vmem>>
      %dma_start3A_116 = arith.constant 768 : i32
      %dma_start3A_117 = tpu.memref_slice %arg6[%dma_start3A_116] : memref<2048xi32, #tpu.memory_space<vmem>> -> memref<128xi32, #tpu.memory_space<vmem>>
      %dma_start3A_118 = arith.constant 0 : i32
      %dma_start3A_119 = arith.constant 0 : i32
      %dma_start3A_120 = tpu.memref_slice %arg3[%dma_start3A_118, %dma_start3A_119] : memref<100001x8xf32, #tpu.memory_space<hbm>> -> memref<100001x8xf32, #tpu.memory_space<hbm>>
      tpu.enqueue_indirect_dma source(%dma_start3A_120 : memref<100001x8xf32, #tpu.memory_space<hbm>>) target(%dma_start3A_115 : memref<128x8xf32, #tpu.memory_space<vmem>>) offsets(%dma_start3A_117 : memref<128xi32, #tpu.memory_space<vmem>>) semaphore(%arg12 : memref<!tpu.dma_semaphore, #tpu.memory_space<semaphore_mem>>)
      %dma_start3A_121 = arith.constant 768 : i32
      %dma_start3A_122 = arith.constant 0 : i32
      %dma_start3A_123 = tpu.memref_slice %arg10[%dma_start3A_121, %dma_start3A_122] : memref<2048x8xf32, #tpu.memory_space<vmem>> -> memref<128x8xf32, #tpu.memory_space<vmem>>
      %dma_start3A_124 = arith.constant 768 : i32
      %dma_start3A_125 = tpu.memref_slice %arg7[%dma_start3A_124] : memref<2048xi32, #tpu.memory_space<vmem>> -> memref<128xi32, #tpu.memory_space<vmem>>
      %dma_start3A_126 = arith.constant 0 : i32
      %dma_start3A_127 = arith.constant 0 : i32
      %dma_start3A_128 = tpu.memref_slice %arg3[%dma_start3A_126, %dma_start3A_127] : memref<100001x8xf32, #tpu.memory_space<hbm>> -> memref<100001x8xf32, #tpu.memory_space<hbm>>
      tpu.enqueue_indirect_dma source(%dma_start3A_128 : memref<100001x8xf32, #tpu.memory_space<hbm>>) target(%dma_start3A_123 : memref<128x8xf32, #tpu.memory_space<vmem>>) offsets(%dma_start3A_125 : memref<128xi32, #tpu.memory_space<vmem>>) semaphore(%arg12 : memref<!tpu.dma_semaphore, #tpu.memory_space<semaphore_mem>>)
      %dma_start3A_129 = arith.constant 896 : i32
      %dma_start3A_130 = arith.constant 0 : i32
      %dma_start3A_131 = tpu.memref_slice %arg9[%dma_start3A_129, %dma_start3A_130] : memref<2048x8xf32, #tpu.memory_space<vmem>> -> memref<128x8xf32, #tpu.memory_space<vmem>>
      %dma_start3A_132 = arith.constant 896 : i32
      %dma_start3A_133 = tpu.memref_slice %arg6[%dma_start3A_132] : memref<2048xi32, #tpu.memory_space<vmem>> -> memref<128xi32, #tpu.memory_space<vmem>>
      %dma_start3A_134 = arith.constant 0 : i32
      %dma_start3A_135 = arith.constant 0 : i32
      %dma_start3A_136 = tpu.memref_slice %arg3[%dma_start3A_134, %dma_start3A_135] : memref<100001x8xf32, #tpu.memory_space<hbm>> -> memref<100001x8xf32, #tpu.memory_space<hbm>>
      tpu.enqueue_indirect_dma source(%dma_start3A_136 : memref<100001x8xf32, #tpu.memory_space<hbm>>) target(%dma_start3A_131 : memref<128x8xf32, #tpu.memory_space<vmem>>) offsets(%dma_start3A_133 : memref<128xi32, #tpu.memory_space<vmem>>) semaphore(%arg12 : memref<!tpu.dma_semaphore, #tpu.memory_space<semaphore_mem>>)
      %dma_start3A_137 = arith.constant 896 : i32
      %dma_start3A_138 = arith.constant 0 : i32
      %dma_start3A_139 = tpu.memref_slice %arg10[%dma_start3A_137, %dma_start3A_138] : memref<2048x8xf32, #tpu.memory_space<vmem>> -> memref<128x8xf32, #tpu.memory_space<vmem>>
      %dma_start3A_140 = arith.constant 896 : i32
      %dma_start3A_141 = tpu.memref_slice %arg7[%dma_start3A_140] : memref<2048xi32, #tpu.memory_space<vmem>> -> memref<128xi32, #tpu.memory_space<vmem>>
      %dma_start3A_142 = arith.constant 0 : i32
      %dma_start3A_143 = arith.constant 0 : i32
      %dma_start3A_144 = tpu.memref_slice %arg3[%dma_start3A_142, %dma_start3A_143] : memref<100001x8xf32, #tpu.memory_space<hbm>> -> memref<100001x8xf32, #tpu.memory_space<hbm>>
      tpu.enqueue_indirect_dma source(%dma_start3A_144 : memref<100001x8xf32, #tpu.memory_space<hbm>>) target(%dma_start3A_139 : memref<128x8xf32, #tpu.memory_space<vmem>>) offsets(%dma_start3A_141 : memref<128xi32, #tpu.memory_space<vmem>>) semaphore(%arg12 : memref<!tpu.dma_semaphore, #tpu.memory_space<semaphore_mem>>)
      %dma_start3A_145 = arith.constant 1024 : i32
      %dma_start3A_146 = arith.constant 0 : i32
      %dma_start3A_147 = tpu.memref_slice %arg9[%dma_start3A_145, %dma_start3A_146] : memref<2048x8xf32, #tpu.memory_space<vmem>> -> memref<128x8xf32, #tpu.memory_space<vmem>>
      %dma_start3A_148 = arith.constant 1024 : i32
      %dma_start3A_149 = tpu.memref_slice %arg6[%dma_start3A_148] : memref<2048xi32, #tpu.memory_space<vmem>> -> memref<128xi32, #tpu.memory_space<vmem>>
      %dma_start3A_150 = arith.constant 0 : i32
      %dma_start3A_151 = arith.constant 0 : i32
      %dma_start3A_152 = tpu.memref_slice %arg3[%dma_start3A_150, %dma_start3A_151] : memref<100001x8xf32, #tpu.memory_space<hbm>> -> memref<100001x8xf32, #tpu.memory_space<hbm>>
      tpu.enqueue_indirect_dma source(%dma_start3A_152 : memref<100001x8xf32, #tpu.memory_space<hbm>>) target(%dma_start3A_147 : memref<128x8xf32, #tpu.memory_space<vmem>>) offsets(%dma_start3A_149 : memref<128xi32, #tpu.memory_space<vmem>>) semaphore(%arg12 : memref<!tpu.dma_semaphore, #tpu.memory_space<semaphore_mem>>)
      %dma_start3A_153 = arith.constant 1024 : i32
      %dma_start3A_154 = arith.constant 0 : i32
      %dma_start3A_155 = tpu.memref_slice %arg10[%dma_start3A_153, %dma_start3A_154] : memref<2048x8xf32, #tpu.memory_space<vmem>> -> memref<128x8xf32, #tpu.memory_space<vmem>>
      %dma_start3A_156 = arith.constant 1024 : i32
      %dma_start3A_157 = tpu.memref_slice %arg7[%dma_start3A_156] : memref<2048xi32, #tpu.memory_space<vmem>> -> memref<128xi32, #tpu.memory_space<vmem>>
      %dma_start3A_158 = arith.constant 0 : i32
      %dma_start3A_159 = arith.constant 0 : i32
      %dma_start3A_160 = tpu.memref_slice %arg3[%dma_start3A_158, %dma_start3A_159] : memref<100001x8xf32, #tpu.memory_space<hbm>> -> memref<100001x8xf32, #tpu.memory_space<hbm>>
      tpu.enqueue_indirect_dma source(%dma_start3A_160 : memref<100001x8xf32, #tpu.memory_space<hbm>>) target(%dma_start3A_155 : memref<128x8xf32, #tpu.memory_space<vmem>>) offsets(%dma_start3A_157 : memref<128xi32, #tpu.memory_space<vmem>>) semaphore(%arg12 : memref<!tpu.dma_semaphore, #tpu.memory_space<semaphore_mem>>)
      %dma_start3A_161 = arith.constant 1152 : i32
      %dma_start3A_162 = arith.constant 0 : i32
      %dma_start3A_163 = tpu.memref_slice %arg9[%dma_start3A_161, %dma_start3A_162] : memref<2048x8xf32, #tpu.memory_space<vmem>> -> memref<128x8xf32, #tpu.memory_space<vmem>>
      %dma_start3A_164 = arith.constant 1152 : i32
      %dma_start3A_165 = tpu.memref_slice %arg6[%dma_start3A_164] : memref<2048xi32, #tpu.memory_space<vmem>> -> memref<128xi32, #tpu.memory_space<vmem>>
      %dma_start3A_166 = arith.constant 0 : i32
      %dma_start3A_167 = arith.constant 0 : i32
      %dma_start3A_168 = tpu.memref_slice %arg3[%dma_start3A_166, %dma_start3A_167] : memref<100001x8xf32, #tpu.memory_space<hbm>> -> memref<100001x8xf32, #tpu.memory_space<hbm>>
      tpu.enqueue_indirect_dma source(%dma_start3A_168 : memref<100001x8xf32, #tpu.memory_space<hbm>>) target(%dma_start3A_163 : memref<128x8xf32, #tpu.memory_space<vmem>>) offsets(%dma_start3A_165 : memref<128xi32, #tpu.memory_space<vmem>>) semaphore(%arg12 : memref<!tpu.dma_semaphore, #tpu.memory_space<semaphore_mem>>)
      %dma_start3A_169 = arith.constant 1152 : i32
      %dma_start3A_170 = arith.constant 0 : i32
      %dma_start3A_171 = tpu.memref_slice %arg10[%dma_start3A_169, %dma_start3A_170] : memref<2048x8xf32, #tpu.memory_space<vmem>> -> memref<128x8xf32, #tpu.memory_space<vmem>>
      %dma_start3A_172 = arith.constant 1152 : i32
      %dma_start3A_173 = tpu.memref_slice %arg7[%dma_start3A_172] : memref<2048xi32, #tpu.memory_space<vmem>> -> memref<128xi32, #tpu.memory_space<vmem>>
      %dma_start3A_174 = arith.constant 0 : i32
      %dma_start3A_175 = arith.constant 0 : i32
      %dma_start3A_176 = tpu.memref_slice %arg3[%dma_start3A_174, %dma_start3A_175] : memref<100001x8xf32, #tpu.memory_space<hbm>> -> memref<100001x8xf32, #tpu.memory_space<hbm>>
      tpu.enqueue_indirect_dma source(%dma_start3A_176 : memref<100001x8xf32, #tpu.memory_space<hbm>>) target(%dma_start3A_171 : memref<128x8xf32, #tpu.memory_space<vmem>>) offsets(%dma_start3A_173 : memref<128xi32, #tpu.memory_space<vmem>>) semaphore(%arg12 : memref<!tpu.dma_semaphore, #tpu.memory_space<semaphore_mem>>)
      %dma_start3A_177 = arith.constant 1280 : i32
      %dma_start3A_178 = arith.constant 0 : i32
      %dma_start3A_179 = tpu.memref_slice %arg9[%dma_start3A_177, %dma_start3A_178] : memref<2048x8xf32, #tpu.memory_space<vmem>> -> memref<128x8xf32, #tpu.memory_space<vmem>>
      %dma_start3A_180 = arith.constant 1280 : i32
      %dma_start3A_181 = tpu.memref_slice %arg6[%dma_start3A_180] : memref<2048xi32, #tpu.memory_space<vmem>> -> memref<128xi32, #tpu.memory_space<vmem>>
      %dma_start3A_182 = arith.constant 0 : i32
      %dma_start3A_183 = arith.constant 0 : i32
      %dma_start3A_184 = tpu.memref_slice %arg3[%dma_start3A_182, %dma_start3A_183] : memref<100001x8xf32, #tpu.memory_space<hbm>> -> memref<100001x8xf32, #tpu.memory_space<hbm>>
      tpu.enqueue_indirect_dma source(%dma_start3A_184 : memref<100001x8xf32, #tpu.memory_space<hbm>>) target(%dma_start3A_179 : memref<128x8xf32, #tpu.memory_space<vmem>>) offsets(%dma_start3A_181 : memref<128xi32, #tpu.memory_space<vmem>>) semaphore(%arg12 : memref<!tpu.dma_semaphore, #tpu.memory_space<semaphore_mem>>)
      %dma_start3A_185 = arith.constant 1280 : i32
      %dma_start3A_186 = arith.constant 0 : i32
      %dma_start3A_187 = tpu.memref_slice %arg10[%dma_start3A_185, %dma_start3A_186] : memref<2048x8xf32, #tpu.memory_space<vmem>> -> memref<128x8xf32, #tpu.memory_space<vmem>>
      %dma_start3A_188 = arith.constant 1280 : i32
      %dma_start3A_189 = tpu.memref_slice %arg7[%dma_start3A_188] : memref<2048xi32, #tpu.memory_space<vmem>> -> memref<128xi32, #tpu.memory_space<vmem>>
      %dma_start3A_190 = arith.constant 0 : i32
      %dma_start3A_191 = arith.constant 0 : i32
      %dma_start3A_192 = tpu.memref_slice %arg3[%dma_start3A_190, %dma_start3A_191] : memref<100001x8xf32, #tpu.memory_space<hbm>> -> memref<100001x8xf32, #tpu.memory_space<hbm>>
      tpu.enqueue_indirect_dma source(%dma_start3A_192 : memref<100001x8xf32, #tpu.memory_space<hbm>>) target(%dma_start3A_187 : memref<128x8xf32, #tpu.memory_space<vmem>>) offsets(%dma_start3A_189 : memref<128xi32, #tpu.memory_space<vmem>>) semaphore(%arg12 : memref<!tpu.dma_semaphore, #tpu.memory_space<semaphore_mem>>)
      %dma_start3A_193 = arith.constant 1408 : i32
      %dma_start3A_194 = arith.constant 0 : i32
      %dma_start3A_195 = tpu.memref_slice %arg9[%dma_start3A_193, %dma_start3A_194] : memref<2048x8xf32, #tpu.memory_space<vmem>> -> memref<128x8xf32, #tpu.memory_space<vmem>>
      %dma_start3A_196 = arith.constant 1408 : i32
      %dma_start3A_197 = tpu.memref_slice %arg6[%dma_start3A_196] : memref<2048xi32, #tpu.memory_space<vmem>> -> memref<128xi32, #tpu.memory_space<vmem>>
      %dma_start3A_198 = arith.constant 0 : i32
      %dma_start3A_199 = arith.constant 0 : i32
      %dma_start3A_200 = tpu.memref_slice %arg3[%dma_start3A_198, %dma_start3A_199] : memref<100001x8xf32, #tpu.memory_space<hbm>> -> memref<100001x8xf32, #tpu.memory_space<hbm>>
      tpu.enqueue_indirect_dma source(%dma_start3A_200 : memref<100001x8xf32, #tpu.memory_space<hbm>>) target(%dma_start3A_195 : memref<128x8xf32, #tpu.memory_space<vmem>>) offsets(%dma_start3A_197 : memref<128xi32, #tpu.memory_space<vmem>>) semaphore(%arg12 : memref<!tpu.dma_semaphore, #tpu.memory_space<semaphore_mem>>)
      %dma_start3A_201 = arith.constant 1408 : i32
      %dma_start3A_202 = arith.constant 0 : i32
      %dma_start3A_203 = tpu.memref_slice %arg10[%dma_start3A_201, %dma_start3A_202] : memref<2048x8xf32, #tpu.memory_space<vmem>> -> memref<128x8xf32, #tpu.memory_space<vmem>>
      %dma_start3A_204 = arith.constant 1408 : i32
      %dma_start3A_205 = tpu.memref_slice %arg7[%dma_start3A_204] : memref<2048xi32, #tpu.memory_space<vmem>> -> memref<128xi32, #tpu.memory_space<vmem>>
      %dma_start3A_206 = arith.constant 0 : i32
      %dma_start3A_207 = arith.constant 0 : i32
      %dma_start3A_208 = tpu.memref_slice %arg3[%dma_start3A_206, %dma_start3A_207] : memref<100001x8xf32, #tpu.memory_space<hbm>> -> memref<100001x8xf32, #tpu.memory_space<hbm>>
      tpu.enqueue_indirect_dma source(%dma_start3A_208 : memref<100001x8xf32, #tpu.memory_space<hbm>>) target(%dma_start3A_203 : memref<128x8xf32, #tpu.memory_space<vmem>>) offsets(%dma_start3A_205 : memref<128xi32, #tpu.memory_space<vmem>>) semaphore(%arg12 : memref<!tpu.dma_semaphore, #tpu.memory_space<semaphore_mem>>)
      %dma_start3A_209 = arith.constant 1536 : i32
      %dma_start3A_210 = arith.constant 0 : i32
      %dma_start3A_211 = tpu.memref_slice %arg9[%dma_start3A_209, %dma_start3A_210] : memref<2048x8xf32, #tpu.memory_space<vmem>> -> memref<128x8xf32, #tpu.memory_space<vmem>>
      %dma_start3A_212 = arith.constant 1536 : i32
      %dma_start3A_213 = tpu.memref_slice %arg6[%dma_start3A_212] : memref<2048xi32, #tpu.memory_space<vmem>> -> memref<128xi32, #tpu.memory_space<vmem>>
      %dma_start3A_214 = arith.constant 0 : i32
      %dma_start3A_215 = arith.constant 0 : i32
      %dma_start3A_216 = tpu.memref_slice %arg3[%dma_start3A_214, %dma_start3A_215] : memref<100001x8xf32, #tpu.memory_space<hbm>> -> memref<100001x8xf32, #tpu.memory_space<hbm>>
      tpu.enqueue_indirect_dma source(%dma_start3A_216 : memref<100001x8xf32, #tpu.memory_space<hbm>>) target(%dma_start3A_211 : memref<128x8xf32, #tpu.memory_space<vmem>>) offsets(%dma_start3A_213 : memref<128xi32, #tpu.memory_space<vmem>>) semaphore(%arg12 : memref<!tpu.dma_semaphore, #tpu.memory_space<semaphore_mem>>)
      %dma_start3A_217 = arith.constant 1536 : i32
      %dma_start3A_218 = arith.constant 0 : i32
      %dma_start3A_219 = tpu.memref_slice %arg10[%dma_start3A_217, %dma_start3A_218] : memref<2048x8xf32, #tpu.memory_space<vmem>> -> memref<128x8xf32, #tpu.memory_space<vmem>>
      %dma_start3A_220 = arith.constant 1536 : i32
      %dma_start3A_221 = tpu.memref_slice %arg7[%dma_start3A_220] : memref<2048xi32, #tpu.memory_space<vmem>> -> memref<128xi32, #tpu.memory_space<vmem>>
      %dma_start3A_222 = arith.constant 0 : i32
      %dma_start3A_223 = arith.constant 0 : i32
      %dma_start3A_224 = tpu.memref_slice %arg3[%dma_start3A_222, %dma_start3A_223] : memref<100001x8xf32, #tpu.memory_space<hbm>> -> memref<100001x8xf32, #tpu.memory_space<hbm>>
      tpu.enqueue_indirect_dma source(%dma_start3A_224 : memref<100001x8xf32, #tpu.memory_space<hbm>>) target(%dma_start3A_219 : memref<128x8xf32, #tpu.memory_space<vmem>>) offsets(%dma_start3A_221 : memref<128xi32, #tpu.memory_space<vmem>>) semaphore(%arg12 : memref<!tpu.dma_semaphore, #tpu.memory_space<semaphore_mem>>)
      %dma_start3A_225 = arith.constant 1664 : i32
      %dma_start3A_226 = arith.constant 0 : i32
      %dma_start3A_227 = tpu.memref_slice %arg9[%dma_start3A_225, %dma_start3A_226] : memref<2048x8xf32, #tpu.memory_space<vmem>> -> memref<128x8xf32, #tpu.memory_space<vmem>>
      %dma_start3A_228 = arith.constant 1664 : i32
      %dma_start3A_229 = tpu.memref_slice %arg6[%dma_start3A_228] : memref<2048xi32, #tpu.memory_space<vmem>> -> memref<128xi32, #tpu.memory_space<vmem>>
      %dma_start3A_230 = arith.constant 0 : i32
      %dma_start3A_231 = arith.constant 0 : i32
      %dma_start3A_232 = tpu.memref_slice %arg3[%dma_start3A_230, %dma_start3A_231] : memref<100001x8xf32, #tpu.memory_space<hbm>> -> memref<100001x8xf32, #tpu.memory_space<hbm>>
      tpu.enqueue_indirect_dma source(%dma_start3A_232 : memref<100001x8xf32, #tpu.memory_space<hbm>>) target(%dma_start3A_227 : memref<128x8xf32, #tpu.memory_space<vmem>>) offsets(%dma_start3A_229 : memref<128xi32, #tpu.memory_space<vmem>>) semaphore(%arg12 : memref<!tpu.dma_semaphore, #tpu.memory_space<semaphore_mem>>)
      %dma_start3A_233 = arith.constant 1664 : i32
      %dma_start3A_234 = arith.constant 0 : i32
      %dma_start3A_235 = tpu.memref_slice %arg10[%dma_start3A_233, %dma_start3A_234] : memref<2048x8xf32, #tpu.memory_space<vmem>> -> memref<128x8xf32, #tpu.memory_space<vmem>>
      %dma_start3A_236 = arith.constant 1664 : i32
      %dma_start3A_237 = tpu.memref_slice %arg7[%dma_start3A_236] : memref<2048xi32, #tpu.memory_space<vmem>> -> memref<128xi32, #tpu.memory_space<vmem>>
      %dma_start3A_238 = arith.constant 0 : i32
      %dma_start3A_239 = arith.constant 0 : i32
      %dma_start3A_240 = tpu.memref_slice %arg3[%dma_start3A_238, %dma_start3A_239] : memref<100001x8xf32, #tpu.memory_space<hbm>> -> memref<100001x8xf32, #tpu.memory_space<hbm>>
      tpu.enqueue_indirect_dma source(%dma_start3A_240 : memref<100001x8xf32, #tpu.memory_space<hbm>>) target(%dma_start3A_235 : memref<128x8xf32, #tpu.memory_space<vmem>>) offsets(%dma_start3A_237 : memref<128xi32, #tpu.memory_space<vmem>>) semaphore(%arg12 : memref<!tpu.dma_semaphore, #tpu.memory_space<semaphore_mem>>)
      %dma_start3A_241 = arith.constant 1792 : i32
      %dma_start3A_242 = arith.constant 0 : i32
      %dma_start3A_243 = tpu.memref_slice %arg9[%dma_start3A_241, %dma_start3A_242] : memref<2048x8xf32, #tpu.memory_space<vmem>> -> memref<128x8xf32, #tpu.memory_space<vmem>>
      %dma_start3A_244 = arith.constant 1792 : i32
      %dma_start3A_245 = tpu.memref_slice %arg6[%dma_start3A_244] : memref<2048xi32, #tpu.memory_space<vmem>> -> memref<128xi32, #tpu.memory_space<vmem>>
      %dma_start3A_246 = arith.constant 0 : i32
      %dma_start3A_247 = arith.constant 0 : i32
      %dma_start3A_248 = tpu.memref_slice %arg3[%dma_start3A_246, %dma_start3A_247] : memref<100001x8xf32, #tpu.memory_space<hbm>> -> memref<100001x8xf32, #tpu.memory_space<hbm>>
      tpu.enqueue_indirect_dma source(%dma_start3A_248 : memref<100001x8xf32, #tpu.memory_space<hbm>>) target(%dma_start3A_243 : memref<128x8xf32, #tpu.memory_space<vmem>>) offsets(%dma_start3A_245 : memref<128xi32, #tpu.memory_space<vmem>>) semaphore(%arg12 : memref<!tpu.dma_semaphore, #tpu.memory_space<semaphore_mem>>)
      %dma_start3A_249 = arith.constant 1792 : i32
      %dma_start3A_250 = arith.constant 0 : i32
      %dma_start3A_251 = tpu.memref_slice %arg10[%dma_start3A_249, %dma_start3A_250] : memref<2048x8xf32, #tpu.memory_space<vmem>> -> memref<128x8xf32, #tpu.memory_space<vmem>>
      %dma_start3A_252 = arith.constant 1792 : i32
      %dma_start3A_253 = tpu.memref_slice %arg7[%dma_start3A_252] : memref<2048xi32, #tpu.memory_space<vmem>> -> memref<128xi32, #tpu.memory_space<vmem>>
      %dma_start3A_254 = arith.constant 0 : i32
      %dma_start3A_255 = arith.constant 0 : i32
      %dma_start3A_256 = tpu.memref_slice %arg3[%dma_start3A_254, %dma_start3A_255] : memref<100001x8xf32, #tpu.memory_space<hbm>> -> memref<100001x8xf32, #tpu.memory_space<hbm>>
      tpu.enqueue_indirect_dma source(%dma_start3A_256 : memref<100001x8xf32, #tpu.memory_space<hbm>>) target(%dma_start3A_251 : memref<128x8xf32, #tpu.memory_space<vmem>>) offsets(%dma_start3A_253 : memref<128xi32, #tpu.memory_space<vmem>>) semaphore(%arg12 : memref<!tpu.dma_semaphore, #tpu.memory_space<semaphore_mem>>)
      %dma_start3A_257 = arith.constant 1920 : i32
      %dma_start3A_258 = arith.constant 0 : i32
      %dma_start3A_259 = tpu.memref_slice %arg9[%dma_start3A_257, %dma_start3A_258] : memref<2048x8xf32, #tpu.memory_space<vmem>> -> memref<128x8xf32, #tpu.memory_space<vmem>>
      %dma_start3A_260 = arith.constant 1920 : i32
      %dma_start3A_261 = tpu.memref_slice %arg6[%dma_start3A_260] : memref<2048xi32, #tpu.memory_space<vmem>> -> memref<128xi32, #tpu.memory_space<vmem>>
      %dma_start3A_262 = arith.constant 0 : i32
      %dma_start3A_263 = arith.constant 0 : i32
      %dma_start3A_264 = tpu.memref_slice %arg3[%dma_start3A_262, %dma_start3A_263] : memref<100001x8xf32, #tpu.memory_space<hbm>> -> memref<100001x8xf32, #tpu.memory_space<hbm>>
      tpu.enqueue_indirect_dma source(%dma_start3A_264 : memref<100001x8xf32, #tpu.memory_space<hbm>>) target(%dma_start3A_259 : memref<128x8xf32, #tpu.memory_space<vmem>>) offsets(%dma_start3A_261 : memref<128xi32, #tpu.memory_space<vmem>>) semaphore(%arg12 : memref<!tpu.dma_semaphore, #tpu.memory_space<semaphore_mem>>)
      %dma_start3A_265 = arith.constant 1920 : i32
      %dma_start3A_266 = arith.constant 0 : i32
      %dma_start3A_267 = tpu.memref_slice %arg10[%dma_start3A_265, %dma_start3A_266] : memref<2048x8xf32, #tpu.memory_space<vmem>> -> memref<128x8xf32, #tpu.memory_space<vmem>>
      %dma_start3A_268 = arith.constant 1920 : i32
      %dma_start3A_269 = tpu.memref_slice %arg7[%dma_start3A_268] : memref<2048xi32, #tpu.memory_space<vmem>> -> memref<128xi32, #tpu.memory_space<vmem>>
      %dma_start3A_270 = arith.constant 0 : i32
      %dma_start3A_271 = arith.constant 0 : i32
      %dma_start3A_272 = tpu.memref_slice %arg3[%dma_start3A_270, %dma_start3A_271] : memref<100001x8xf32, #tpu.memory_space<hbm>> -> memref<100001x8xf32, #tpu.memory_space<hbm>>
      tpu.enqueue_indirect_dma source(%dma_start3A_272 : memref<100001x8xf32, #tpu.memory_space<hbm>>) target(%dma_start3A_267 : memref<128x8xf32, #tpu.memory_space<vmem>>) offsets(%dma_start3A_269 : memref<128xi32, #tpu.memory_space<vmem>>) semaphore(%arg12 : memref<!tpu.dma_semaphore, #tpu.memory_space<semaphore_mem>>)
      %dma_wait3A = arith.constant 0 : i32
      %dma_wait3A_273 = arith.constant 0 : i32
      %dma_wait3A_274 = tpu.memref_slice %arg9[%dma_wait3A, %dma_wait3A_273] : memref<2048x8xf32, #tpu.memory_space<vmem>> -> memref<128x8xf32, #tpu.memory_space<vmem>>
      %dma_wait3A_275 = arith.constant 0 : i32
      %dma_wait3A_276 = tpu.memref_slice %arg6[%dma_wait3A_275] : memref<2048xi32, #tpu.memory_space<vmem>> -> memref<128xi32, #tpu.memory_space<vmem>>
      %dma_wait3A_277 = arith.constant 0 : i32
      %dma_wait3A_278 = arith.constant 0 : i32
      %dma_wait3A_279 = tpu.memref_slice %arg3[%dma_wait3A_277, %dma_wait3A_278] : memref<100001x8xf32, #tpu.memory_space<hbm>> -> memref<100001x8xf32, #tpu.memory_space<hbm>>
      tpu.wait_indirect_dma semaphore(%arg12 : memref<!tpu.dma_semaphore, #tpu.memory_space<semaphore_mem>>) src(%dma_wait3A_279 : memref<100001x8xf32, #tpu.memory_space<hbm>>) dst(%dma_wait3A_274 : memref<128x8xf32, #tpu.memory_space<vmem>>)
      %dma_wait3A_280 = arith.constant 0 : i32
      %dma_wait3A_281 = arith.constant 0 : i32
      %dma_wait3A_282 = tpu.memref_slice %arg10[%dma_wait3A_280, %dma_wait3A_281] : memref<2048x8xf32, #tpu.memory_space<vmem>> -> memref<128x8xf32, #tpu.memory_space<vmem>>
      %dma_wait3A_283 = arith.constant 0 : i32
      %dma_wait3A_284 = tpu.memref_slice %arg7[%dma_wait3A_283] : memref<2048xi32, #tpu.memory_space<vmem>> -> memref<128xi32, #tpu.memory_space<vmem>>
      %dma_wait3A_285 = arith.constant 0 : i32
      %dma_wait3A_286 = arith.constant 0 : i32
      %dma_wait3A_287 = tpu.memref_slice %arg3[%dma_wait3A_285, %dma_wait3A_286] : memref<100001x8xf32, #tpu.memory_space<hbm>> -> memref<100001x8xf32, #tpu.memory_space<hbm>>
      tpu.wait_indirect_dma semaphore(%arg12 : memref<!tpu.dma_semaphore, #tpu.memory_space<semaphore_mem>>) src(%dma_wait3A_287 : memref<100001x8xf32, #tpu.memory_space<hbm>>) dst(%dma_wait3A_282 : memref<128x8xf32, #tpu.memory_space<vmem>>)
      %dma_wait3A_288 = arith.constant 128 : i32
      %dma_wait3A_289 = arith.constant 0 : i32
      %dma_wait3A_290 = tpu.memref_slice %arg9[%dma_wait3A_288, %dma_wait3A_289] : memref<2048x8xf32, #tpu.memory_space<vmem>> -> memref<128x8xf32, #tpu.memory_space<vmem>>
      %dma_wait3A_291 = arith.constant 128 : i32
      %dma_wait3A_292 = tpu.memref_slice %arg6[%dma_wait3A_291] : memref<2048xi32, #tpu.memory_space<vmem>> -> memref<128xi32, #tpu.memory_space<vmem>>
      %dma_wait3A_293 = arith.constant 0 : i32
      %dma_wait3A_294 = arith.constant 0 : i32
      %dma_wait3A_295 = tpu.memref_slice %arg3[%dma_wait3A_293, %dma_wait3A_294] : memref<100001x8xf32, #tpu.memory_space<hbm>> -> memref<100001x8xf32, #tpu.memory_space<hbm>>
      tpu.wait_indirect_dma semaphore(%arg12 : memref<!tpu.dma_semaphore, #tpu.memory_space<semaphore_mem>>) src(%dma_wait3A_295 : memref<100001x8xf32, #tpu.memory_space<hbm>>) dst(%dma_wait3A_290 : memref<128x8xf32, #tpu.memory_space<vmem>>)
      %dma_wait3A_296 = arith.constant 128 : i32
      %dma_wait3A_297 = arith.constant 0 : i32
      %dma_wait3A_298 = tpu.memref_slice %arg10[%dma_wait3A_296, %dma_wait3A_297] : memref<2048x8xf32, #tpu.memory_space<vmem>> -> memref<128x8xf32, #tpu.memory_space<vmem>>
      %dma_wait3A_299 = arith.constant 128 : i32
      %dma_wait3A_300 = tpu.memref_slice %arg7[%dma_wait3A_299] : memref<2048xi32, #tpu.memory_space<vmem>> -> memref<128xi32, #tpu.memory_space<vmem>>
      %dma_wait3A_301 = arith.constant 0 : i32
      %dma_wait3A_302 = arith.constant 0 : i32
      %dma_wait3A_303 = tpu.memref_slice %arg3[%dma_wait3A_301, %dma_wait3A_302] : memref<100001x8xf32, #tpu.memory_space<hbm>> -> memref<100001x8xf32, #tpu.memory_space<hbm>>
      tpu.wait_indirect_dma semaphore(%arg12 : memref<!tpu.dma_semaphore, #tpu.memory_space<semaphore_mem>>) src(%dma_wait3A_303 : memref<100001x8xf32, #tpu.memory_space<hbm>>) dst(%dma_wait3A_298 : memref<128x8xf32, #tpu.memory_space<vmem>>)
      %dma_wait3A_304 = arith.constant 256 : i32
      %dma_wait3A_305 = arith.constant 0 : i32
      %dma_wait3A_306 = tpu.memref_slice %arg9[%dma_wait3A_304, %dma_wait3A_305] : memref<2048x8xf32, #tpu.memory_space<vmem>> -> memref<128x8xf32, #tpu.memory_space<vmem>>
      %dma_wait3A_307 = arith.constant 256 : i32
      %dma_wait3A_308 = tpu.memref_slice %arg6[%dma_wait3A_307] : memref<2048xi32, #tpu.memory_space<vmem>> -> memref<128xi32, #tpu.memory_space<vmem>>
      %dma_wait3A_309 = arith.constant 0 : i32
      %dma_wait3A_310 = arith.constant 0 : i32
      %dma_wait3A_311 = tpu.memref_slice %arg3[%dma_wait3A_309, %dma_wait3A_310] : memref<100001x8xf32, #tpu.memory_space<hbm>> -> memref<100001x8xf32, #tpu.memory_space<hbm>>
      tpu.wait_indirect_dma semaphore(%arg12 : memref<!tpu.dma_semaphore, #tpu.memory_space<semaphore_mem>>) src(%dma_wait3A_311 : memref<100001x8xf32, #tpu.memory_space<hbm>>) dst(%dma_wait3A_306 : memref<128x8xf32, #tpu.memory_space<vmem>>)
      %dma_wait3A_312 = arith.constant 256 : i32
      %dma_wait3A_313 = arith.constant 0 : i32
      %dma_wait3A_314 = tpu.memref_slice %arg10[%dma_wait3A_312, %dma_wait3A_313] : memref<2048x8xf32, #tpu.memory_space<vmem>> -> memref<128x8xf32, #tpu.memory_space<vmem>>
      %dma_wait3A_315 = arith.constant 256 : i32
      %dma_wait3A_316 = tpu.memref_slice %arg7[%dma_wait3A_315] : memref<2048xi32, #tpu.memory_space<vmem>> -> memref<128xi32, #tpu.memory_space<vmem>>
      %dma_wait3A_317 = arith.constant 0 : i32
      %dma_wait3A_318 = arith.constant 0 : i32
      %dma_wait3A_319 = tpu.memref_slice %arg3[%dma_wait3A_317, %dma_wait3A_318] : memref<100001x8xf32, #tpu.memory_space<hbm>> -> memref<100001x8xf32, #tpu.memory_space<hbm>>
      tpu.wait_indirect_dma semaphore(%arg12 : memref<!tpu.dma_semaphore, #tpu.memory_space<semaphore_mem>>) src(%dma_wait3A_319 : memref<100001x8xf32, #tpu.memory_space<hbm>>) dst(%dma_wait3A_314 : memref<128x8xf32, #tpu.memory_space<vmem>>)
      %dma_wait3A_320 = arith.constant 384 : i32
      %dma_wait3A_321 = arith.constant 0 : i32
      %dma_wait3A_322 = tpu.memref_slice %arg9[%dma_wait3A_320, %dma_wait3A_321] : memref<2048x8xf32, #tpu.memory_space<vmem>> -> memref<128x8xf32, #tpu.memory_space<vmem>>
      %dma_wait3A_323 = arith.constant 384 : i32
      %dma_wait3A_324 = tpu.memref_slice %arg6[%dma_wait3A_323] : memref<2048xi32, #tpu.memory_space<vmem>> -> memref<128xi32, #tpu.memory_space<vmem>>
      %dma_wait3A_325 = arith.constant 0 : i32
      %dma_wait3A_326 = arith.constant 0 : i32
      %dma_wait3A_327 = tpu.memref_slice %arg3[%dma_wait3A_325, %dma_wait3A_326] : memref<100001x8xf32, #tpu.memory_space<hbm>> -> memref<100001x8xf32, #tpu.memory_space<hbm>>
      tpu.wait_indirect_dma semaphore(%arg12 : memref<!tpu.dma_semaphore, #tpu.memory_space<semaphore_mem>>) src(%dma_wait3A_327 : memref<100001x8xf32, #tpu.memory_space<hbm>>) dst(%dma_wait3A_322 : memref<128x8xf32, #tpu.memory_space<vmem>>)
      %dma_wait3A_328 = arith.constant 384 : i32
      %dma_wait3A_329 = arith.constant 0 : i32
      %dma_wait3A_330 = tpu.memref_slice %arg10[%dma_wait3A_328, %dma_wait3A_329] : memref<2048x8xf32, #tpu.memory_space<vmem>> -> memref<128x8xf32, #tpu.memory_space<vmem>>
      %dma_wait3A_331 = arith.constant 384 : i32
      %dma_wait3A_332 = tpu.memref_slice %arg7[%dma_wait3A_331] : memref<2048xi32, #tpu.memory_space<vmem>> -> memref<128xi32, #tpu.memory_space<vmem>>
      %dma_wait3A_333 = arith.constant 0 : i32
      %dma_wait3A_334 = arith.constant 0 : i32
      %dma_wait3A_335 = tpu.memref_slice %arg3[%dma_wait3A_333, %dma_wait3A_334] : memref<100001x8xf32, #tpu.memory_space<hbm>> -> memref<100001x8xf32, #tpu.memory_space<hbm>>
      tpu.wait_indirect_dma semaphore(%arg12 : memref<!tpu.dma_semaphore, #tpu.memory_space<semaphore_mem>>) src(%dma_wait3A_335 : memref<100001x8xf32, #tpu.memory_space<hbm>>) dst(%dma_wait3A_330 : memref<128x8xf32, #tpu.memory_space<vmem>>)
      %dma_wait3A_336 = arith.constant 512 : i32
      %dma_wait3A_337 = arith.constant 0 : i32
      %dma_wait3A_338 = tpu.memref_slice %arg9[%dma_wait3A_336, %dma_wait3A_337] : memref<2048x8xf32, #tpu.memory_space<vmem>> -> memref<128x8xf32, #tpu.memory_space<vmem>>
      %dma_wait3A_339 = arith.constant 512 : i32
      %dma_wait3A_340 = tpu.memref_slice %arg6[%dma_wait3A_339] : memref<2048xi32, #tpu.memory_space<vmem>> -> memref<128xi32, #tpu.memory_space<vmem>>
      %dma_wait3A_341 = arith.constant 0 : i32
      %dma_wait3A_342 = arith.constant 0 : i32
      %dma_wait3A_343 = tpu.memref_slice %arg3[%dma_wait3A_341, %dma_wait3A_342] : memref<100001x8xf32, #tpu.memory_space<hbm>> -> memref<100001x8xf32, #tpu.memory_space<hbm>>
      tpu.wait_indirect_dma semaphore(%arg12 : memref<!tpu.dma_semaphore, #tpu.memory_space<semaphore_mem>>) src(%dma_wait3A_343 : memref<100001x8xf32, #tpu.memory_space<hbm>>) dst(%dma_wait3A_338 : memref<128x8xf32, #tpu.memory_space<vmem>>)
      %dma_wait3A_344 = arith.constant 512 : i32
      %dma_wait3A_345 = arith.constant 0 : i32
      %dma_wait3A_346 = tpu.memref_slice %arg10[%dma_wait3A_344, %dma_wait3A_345] : memref<2048x8xf32, #tpu.memory_space<vmem>> -> memref<128x8xf32, #tpu.memory_space<vmem>>
      %dma_wait3A_347 = arith.constant 512 : i32
      %dma_wait3A_348 = tpu.memref_slice %arg7[%dma_wait3A_347] : memref<2048xi32, #tpu.memory_space<vmem>> -> memref<128xi32, #tpu.memory_space<vmem>>
      %dma_wait3A_349 = arith.constant 0 : i32
      %dma_wait3A_350 = arith.constant 0 : i32
      %dma_wait3A_351 = tpu.memref_slice %arg3[%dma_wait3A_349, %dma_wait3A_350] : memref<100001x8xf32, #tpu.memory_space<hbm>> -> memref<100001x8xf32, #tpu.memory_space<hbm>>
      tpu.wait_indirect_dma semaphore(%arg12 : memref<!tpu.dma_semaphore, #tpu.memory_space<semaphore_mem>>) src(%dma_wait3A_351 : memref<100001x8xf32, #tpu.memory_space<hbm>>) dst(%dma_wait3A_346 : memref<128x8xf32, #tpu.memory_space<vmem>>)
      %dma_wait3A_352 = arith.constant 640 : i32
      %dma_wait3A_353 = arith.constant 0 : i32
      %dma_wait3A_354 = tpu.memref_slice %arg9[%dma_wait3A_352, %dma_wait3A_353] : memref<2048x8xf32, #tpu.memory_space<vmem>> -> memref<128x8xf32, #tpu.memory_space<vmem>>
      %dma_wait3A_355 = arith.constant 640 : i32
      %dma_wait3A_356 = tpu.memref_slice %arg6[%dma_wait3A_355] : memref<2048xi32, #tpu.memory_space<vmem>> -> memref<128xi32, #tpu.memory_space<vmem>>
      %dma_wait3A_357 = arith.constant 0 : i32
      %dma_wait3A_358 = arith.constant 0 : i32
      %dma_wait3A_359 = tpu.memref_slice %arg3[%dma_wait3A_357, %dma_wait3A_358] : memref<100001x8xf32, #tpu.memory_space<hbm>> -> memref<100001x8xf32, #tpu.memory_space<hbm>>
      tpu.wait_indirect_dma semaphore(%arg12 : memref<!tpu.dma_semaphore, #tpu.memory_space<semaphore_mem>>) src(%dma_wait3A_359 : memref<100001x8xf32, #tpu.memory_space<hbm>>) dst(%dma_wait3A_354 : memref<128x8xf32, #tpu.memory_space<vmem>>)
      %dma_wait3A_360 = arith.constant 640 : i32
      %dma_wait3A_361 = arith.constant 0 : i32
      %dma_wait3A_362 = tpu.memref_slice %arg10[%dma_wait3A_360, %dma_wait3A_361] : memref<2048x8xf32, #tpu.memory_space<vmem>> -> memref<128x8xf32, #tpu.memory_space<vmem>>
      %dma_wait3A_363 = arith.constant 640 : i32
      %dma_wait3A_364 = tpu.memref_slice %arg7[%dma_wait3A_363] : memref<2048xi32, #tpu.memory_space<vmem>> -> memref<128xi32, #tpu.memory_space<vmem>>
      %dma_wait3A_365 = arith.constant 0 : i32
      %dma_wait3A_366 = arith.constant 0 : i32
      %dma_wait3A_367 = tpu.memref_slice %arg3[%dma_wait3A_365, %dma_wait3A_366] : memref<100001x8xf32, #tpu.memory_space<hbm>> -> memref<100001x8xf32, #tpu.memory_space<hbm>>
      tpu.wait_indirect_dma semaphore(%arg12 : memref<!tpu.dma_semaphore, #tpu.memory_space<semaphore_mem>>) src(%dma_wait3A_367 : memref<100001x8xf32, #tpu.memory_space<hbm>>) dst(%dma_wait3A_362 : memref<128x8xf32, #tpu.memory_space<vmem>>)
      %dma_wait3A_368 = arith.constant 768 : i32
      %dma_wait3A_369 = arith.constant 0 : i32
      %dma_wait3A_370 = tpu.memref_slice %arg9[%dma_wait3A_368, %dma_wait3A_369] : memref<2048x8xf32, #tpu.memory_space<vmem>> -> memref<128x8xf32, #tpu.memory_space<vmem>>
      %dma_wait3A_371 = arith.constant 768 : i32
      %dma_wait3A_372 = tpu.memref_slice %arg6[%dma_wait3A_371] : memref<2048xi32, #tpu.memory_space<vmem>> -> memref<128xi32, #tpu.memory_space<vmem>>
      %dma_wait3A_373 = arith.constant 0 : i32
      %dma_wait3A_374 = arith.constant 0 : i32
      %dma_wait3A_375 = tpu.memref_slice %arg3[%dma_wait3A_373, %dma_wait3A_374] : memref<100001x8xf32, #tpu.memory_space<hbm>> -> memref<100001x8xf32, #tpu.memory_space<hbm>>
      tpu.wait_indirect_dma semaphore(%arg12 : memref<!tpu.dma_semaphore, #tpu.memory_space<semaphore_mem>>) src(%dma_wait3A_375 : memref<100001x8xf32, #tpu.memory_space<hbm>>) dst(%dma_wait3A_370 : memref<128x8xf32, #tpu.memory_space<vmem>>)
      %dma_wait3A_376 = arith.constant 768 : i32
      %dma_wait3A_377 = arith.constant 0 : i32
      %dma_wait3A_378 = tpu.memref_slice %arg10[%dma_wait3A_376, %dma_wait3A_377] : memref<2048x8xf32, #tpu.memory_space<vmem>> -> memref<128x8xf32, #tpu.memory_space<vmem>>
      %dma_wait3A_379 = arith.constant 768 : i32
      %dma_wait3A_380 = tpu.memref_slice %arg7[%dma_wait3A_379] : memref<2048xi32, #tpu.memory_space<vmem>> -> memref<128xi32, #tpu.memory_space<vmem>>
      %dma_wait3A_381 = arith.constant 0 : i32
      %dma_wait3A_382 = arith.constant 0 : i32
      %dma_wait3A_383 = tpu.memref_slice %arg3[%dma_wait3A_381, %dma_wait3A_382] : memref<100001x8xf32, #tpu.memory_space<hbm>> -> memref<100001x8xf32, #tpu.memory_space<hbm>>
      tpu.wait_indirect_dma semaphore(%arg12 : memref<!tpu.dma_semaphore, #tpu.memory_space<semaphore_mem>>) src(%dma_wait3A_383 : memref<100001x8xf32, #tpu.memory_space<hbm>>) dst(%dma_wait3A_378 : memref<128x8xf32, #tpu.memory_space<vmem>>)
      %dma_wait3A_384 = arith.constant 896 : i32
      %dma_wait3A_385 = arith.constant 0 : i32
      %dma_wait3A_386 = tpu.memref_slice %arg9[%dma_wait3A_384, %dma_wait3A_385] : memref<2048x8xf32, #tpu.memory_space<vmem>> -> memref<128x8xf32, #tpu.memory_space<vmem>>
      %dma_wait3A_387 = arith.constant 896 : i32
      %dma_wait3A_388 = tpu.memref_slice %arg6[%dma_wait3A_387] : memref<2048xi32, #tpu.memory_space<vmem>> -> memref<128xi32, #tpu.memory_space<vmem>>
      %dma_wait3A_389 = arith.constant 0 : i32
      %dma_wait3A_390 = arith.constant 0 : i32
      %dma_wait3A_391 = tpu.memref_slice %arg3[%dma_wait3A_389, %dma_wait3A_390] : memref<100001x8xf32, #tpu.memory_space<hbm>> -> memref<100001x8xf32, #tpu.memory_space<hbm>>
      tpu.wait_indirect_dma semaphore(%arg12 : memref<!tpu.dma_semaphore, #tpu.memory_space<semaphore_mem>>) src(%dma_wait3A_391 : memref<100001x8xf32, #tpu.memory_space<hbm>>) dst(%dma_wait3A_386 : memref<128x8xf32, #tpu.memory_space<vmem>>)
      %dma_wait3A_392 = arith.constant 896 : i32
      %dma_wait3A_393 = arith.constant 0 : i32
      %dma_wait3A_394 = tpu.memref_slice %arg10[%dma_wait3A_392, %dma_wait3A_393] : memref<2048x8xf32, #tpu.memory_space<vmem>> -> memref<128x8xf32, #tpu.memory_space<vmem>>
      %dma_wait3A_395 = arith.constant 896 : i32
      %dma_wait3A_396 = tpu.memref_slice %arg7[%dma_wait3A_395] : memref<2048xi32, #tpu.memory_space<vmem>> -> memref<128xi32, #tpu.memory_space<vmem>>
      %dma_wait3A_397 = arith.constant 0 : i32
      %dma_wait3A_398 = arith.constant 0 : i32
      %dma_wait3A_399 = tpu.memref_slice %arg3[%dma_wait3A_397, %dma_wait3A_398] : memref<100001x8xf32, #tpu.memory_space<hbm>> -> memref<100001x8xf32, #tpu.memory_space<hbm>>
      tpu.wait_indirect_dma semaphore(%arg12 : memref<!tpu.dma_semaphore, #tpu.memory_space<semaphore_mem>>) src(%dma_wait3A_399 : memref<100001x8xf32, #tpu.memory_space<hbm>>) dst(%dma_wait3A_394 : memref<128x8xf32, #tpu.memory_space<vmem>>)
      %dma_wait3A_400 = arith.constant 1024 : i32
      %dma_wait3A_401 = arith.constant 0 : i32
      %dma_wait3A_402 = tpu.memref_slice %arg9[%dma_wait3A_400, %dma_wait3A_401] : memref<2048x8xf32, #tpu.memory_space<vmem>> -> memref<128x8xf32, #tpu.memory_space<vmem>>
      %dma_wait3A_403 = arith.constant 1024 : i32
      %dma_wait3A_404 = tpu.memref_slice %arg6[%dma_wait3A_403] : memref<2048xi32, #tpu.memory_space<vmem>> -> memref<128xi32, #tpu.memory_space<vmem>>
      %dma_wait3A_405 = arith.constant 0 : i32
      %dma_wait3A_406 = arith.constant 0 : i32
      %dma_wait3A_407 = tpu.memref_slice %arg3[%dma_wait3A_405, %dma_wait3A_406] : memref<100001x8xf32, #tpu.memory_space<hbm>> -> memref<100001x8xf32, #tpu.memory_space<hbm>>
      tpu.wait_indirect_dma semaphore(%arg12 : memref<!tpu.dma_semaphore, #tpu.memory_space<semaphore_mem>>) src(%dma_wait3A_407 : memref<100001x8xf32, #tpu.memory_space<hbm>>) dst(%dma_wait3A_402 : memref<128x8xf32, #tpu.memory_space<vmem>>)
      %dma_wait3A_408 = arith.constant 1024 : i32
      %dma_wait3A_409 = arith.constant 0 : i32
      %dma_wait3A_410 = tpu.memref_slice %arg10[%dma_wait3A_408, %dma_wait3A_409] : memref<2048x8xf32, #tpu.memory_space<vmem>> -> memref<128x8xf32, #tpu.memory_space<vmem>>
      %dma_wait3A_411 = arith.constant 1024 : i32
      %dma_wait3A_412 = tpu.memref_slice %arg7[%dma_wait3A_411] : memref<2048xi32, #tpu.memory_space<vmem>> -> memref<128xi32, #tpu.memory_space<vmem>>
      %dma_wait3A_413 = arith.constant 0 : i32
      %dma_wait3A_414 = arith.constant 0 : i32
      %dma_wait3A_415 = tpu.memref_slice %arg3[%dma_wait3A_413, %dma_wait3A_414] : memref<100001x8xf32, #tpu.memory_space<hbm>> -> memref<100001x8xf32, #tpu.memory_space<hbm>>
      tpu.wait_indirect_dma semaphore(%arg12 : memref<!tpu.dma_semaphore, #tpu.memory_space<semaphore_mem>>) src(%dma_wait3A_415 : memref<100001x8xf32, #tpu.memory_space<hbm>>) dst(%dma_wait3A_410 : memref<128x8xf32, #tpu.memory_space<vmem>>)
      %dma_wait3A_416 = arith.constant 1152 : i32
      %dma_wait3A_417 = arith.constant 0 : i32
      %dma_wait3A_418 = tpu.memref_slice %arg9[%dma_wait3A_416, %dma_wait3A_417] : memref<2048x8xf32, #tpu.memory_space<vmem>> -> memref<128x8xf32, #tpu.memory_space<vmem>>
      %dma_wait3A_419 = arith.constant 1152 : i32
      %dma_wait3A_420 = tpu.memref_slice %arg6[%dma_wait3A_419] : memref<2048xi32, #tpu.memory_space<vmem>> -> memref<128xi32, #tpu.memory_space<vmem>>
      %dma_wait3A_421 = arith.constant 0 : i32
      %dma_wait3A_422 = arith.constant 0 : i32
      %dma_wait3A_423 = tpu.memref_slice %arg3[%dma_wait3A_421, %dma_wait3A_422] : memref<100001x8xf32, #tpu.memory_space<hbm>> -> memref<100001x8xf32, #tpu.memory_space<hbm>>
      tpu.wait_indirect_dma semaphore(%arg12 : memref<!tpu.dma_semaphore, #tpu.memory_space<semaphore_mem>>) src(%dma_wait3A_423 : memref<100001x8xf32, #tpu.memory_space<hbm>>) dst(%dma_wait3A_418 : memref<128x8xf32, #tpu.memory_space<vmem>>)
      %dma_wait3A_424 = arith.constant 1152 : i32
      %dma_wait3A_425 = arith.constant 0 : i32
      %dma_wait3A_426 = tpu.memref_slice %arg10[%dma_wait3A_424, %dma_wait3A_425] : memref<2048x8xf32, #tpu.memory_space<vmem>> -> memref<128x8xf32, #tpu.memory_space<vmem>>
      %dma_wait3A_427 = arith.constant 1152 : i32
      %dma_wait3A_428 = tpu.memref_slice %arg7[%dma_wait3A_427] : memref<2048xi32, #tpu.memory_space<vmem>> -> memref<128xi32, #tpu.memory_space<vmem>>
      %dma_wait3A_429 = arith.constant 0 : i32
      %dma_wait3A_430 = arith.constant 0 : i32
      %dma_wait3A_431 = tpu.memref_slice %arg3[%dma_wait3A_429, %dma_wait3A_430] : memref<100001x8xf32, #tpu.memory_space<hbm>> -> memref<100001x8xf32, #tpu.memory_space<hbm>>
      tpu.wait_indirect_dma semaphore(%arg12 : memref<!tpu.dma_semaphore, #tpu.memory_space<semaphore_mem>>) src(%dma_wait3A_431 : memref<100001x8xf32, #tpu.memory_space<hbm>>) dst(%dma_wait3A_426 : memref<128x8xf32, #tpu.memory_space<vmem>>)
      %dma_wait3A_432 = arith.constant 1280 : i32
      %dma_wait3A_433 = arith.constant 0 : i32
      %dma_wait3A_434 = tpu.memref_slice %arg9[%dma_wait3A_432, %dma_wait3A_433] : memref<2048x8xf32, #tpu.memory_space<vmem>> -> memref<128x8xf32, #tpu.memory_space<vmem>>
      %dma_wait3A_435 = arith.constant 1280 : i32
      %dma_wait3A_436 = tpu.memref_slice %arg6[%dma_wait3A_435] : memref<2048xi32, #tpu.memory_space<vmem>> -> memref<128xi32, #tpu.memory_space<vmem>>
      %dma_wait3A_437 = arith.constant 0 : i32
      %dma_wait3A_438 = arith.constant 0 : i32
      %dma_wait3A_439 = tpu.memref_slice %arg3[%dma_wait3A_437, %dma_wait3A_438] : memref<100001x8xf32, #tpu.memory_space<hbm>> -> memref<100001x8xf32, #tpu.memory_space<hbm>>
      tpu.wait_indirect_dma semaphore(%arg12 : memref<!tpu.dma_semaphore, #tpu.memory_space<semaphore_mem>>) src(%dma_wait3A_439 : memref<100001x8xf32, #tpu.memory_space<hbm>>) dst(%dma_wait3A_434 : memref<128x8xf32, #tpu.memory_space<vmem>>)
      %dma_wait3A_440 = arith.constant 1280 : i32
      %dma_wait3A_441 = arith.constant 0 : i32
      %dma_wait3A_442 = tpu.memref_slice %arg10[%dma_wait3A_440, %dma_wait3A_441] : memref<2048x8xf32, #tpu.memory_space<vmem>> -> memref<128x8xf32, #tpu.memory_space<vmem>>
      %dma_wait3A_443 = arith.constant 1280 : i32
      %dma_wait3A_444 = tpu.memref_slice %arg7[%dma_wait3A_443] : memref<2048xi32, #tpu.memory_space<vmem>> -> memref<128xi32, #tpu.memory_space<vmem>>
      %dma_wait3A_445 = arith.constant 0 : i32
      %dma_wait3A_446 = arith.constant 0 : i32
      %dma_wait3A_447 = tpu.memref_slice %arg3[%dma_wait3A_445, %dma_wait3A_446] : memref<100001x8xf32, #tpu.memory_space<hbm>> -> memref<100001x8xf32, #tpu.memory_space<hbm>>
      tpu.wait_indirect_dma semaphore(%arg12 : memref<!tpu.dma_semaphore, #tpu.memory_space<semaphore_mem>>) src(%dma_wait3A_447 : memref<100001x8xf32, #tpu.memory_space<hbm>>) dst(%dma_wait3A_442 : memref<128x8xf32, #tpu.memory_space<vmem>>)
      %dma_wait3A_448 = arith.constant 1408 : i32
      %dma_wait3A_449 = arith.constant 0 : i32
      %dma_wait3A_450 = tpu.memref_slice %arg9[%dma_wait3A_448, %dma_wait3A_449] : memref<2048x8xf32, #tpu.memory_space<vmem>> -> memref<128x8xf32, #tpu.memory_space<vmem>>
      %dma_wait3A_451 = arith.constant 1408 : i32
      %dma_wait3A_452 = tpu.memref_slice %arg6[%dma_wait3A_451] : memref<2048xi32, #tpu.memory_space<vmem>> -> memref<128xi32, #tpu.memory_space<vmem>>
      %dma_wait3A_453 = arith.constant 0 : i32
      %dma_wait3A_454 = arith.constant 0 : i32
      %dma_wait3A_455 = tpu.memref_slice %arg3[%dma_wait3A_453, %dma_wait3A_454] : memref<100001x8xf32, #tpu.memory_space<hbm>> -> memref<100001x8xf32, #tpu.memory_space<hbm>>
      tpu.wait_indirect_dma semaphore(%arg12 : memref<!tpu.dma_semaphore, #tpu.memory_space<semaphore_mem>>) src(%dma_wait3A_455 : memref<100001x8xf32, #tpu.memory_space<hbm>>) dst(%dma_wait3A_450 : memref<128x8xf32, #tpu.memory_space<vmem>>)
      %dma_wait3A_456 = arith.constant 1408 : i32
      %dma_wait3A_457 = arith.constant 0 : i32
      %dma_wait3A_458 = tpu.memref_slice %arg10[%dma_wait3A_456, %dma_wait3A_457] : memref<2048x8xf32, #tpu.memory_space<vmem>> -> memref<128x8xf32, #tpu.memory_space<vmem>>
      %dma_wait3A_459 = arith.constant 1408 : i32
      %dma_wait3A_460 = tpu.memref_slice %arg7[%dma_wait3A_459] : memref<2048xi32, #tpu.memory_space<vmem>> -> memref<128xi32, #tpu.memory_space<vmem>>
      %dma_wait3A_461 = arith.constant 0 : i32
      %dma_wait3A_462 = arith.constant 0 : i32
      %dma_wait3A_463 = tpu.memref_slice %arg3[%dma_wait3A_461, %dma_wait3A_462] : memref<100001x8xf32, #tpu.memory_space<hbm>> -> memref<100001x8xf32, #tpu.memory_space<hbm>>
      tpu.wait_indirect_dma semaphore(%arg12 : memref<!tpu.dma_semaphore, #tpu.memory_space<semaphore_mem>>) src(%dma_wait3A_463 : memref<100001x8xf32, #tpu.memory_space<hbm>>) dst(%dma_wait3A_458 : memref<128x8xf32, #tpu.memory_space<vmem>>)
      %dma_wait3A_464 = arith.constant 1536 : i32
      %dma_wait3A_465 = arith.constant 0 : i32
      %dma_wait3A_466 = tpu.memref_slice %arg9[%dma_wait3A_464, %dma_wait3A_465] : memref<2048x8xf32, #tpu.memory_space<vmem>> -> memref<128x8xf32, #tpu.memory_space<vmem>>
      %dma_wait3A_467 = arith.constant 1536 : i32
      %dma_wait3A_468 = tpu.memref_slice %arg6[%dma_wait3A_467] : memref<2048xi32, #tpu.memory_space<vmem>> -> memref<128xi32, #tpu.memory_space<vmem>>
      %dma_wait3A_469 = arith.constant 0 : i32
      %dma_wait3A_470 = arith.constant 0 : i32
      %dma_wait3A_471 = tpu.memref_slice %arg3[%dma_wait3A_469, %dma_wait3A_470] : memref<100001x8xf32, #tpu.memory_space<hbm>> -> memref<100001x8xf32, #tpu.memory_space<hbm>>
      tpu.wait_indirect_dma semaphore(%arg12 : memref<!tpu.dma_semaphore, #tpu.memory_space<semaphore_mem>>) src(%dma_wait3A_471 : memref<100001x8xf32, #tpu.memory_space<hbm>>) dst(%dma_wait3A_466 : memref<128x8xf32, #tpu.memory_space<vmem>>)
      %dma_wait3A_472 = arith.constant 1536 : i32
      %dma_wait3A_473 = arith.constant 0 : i32
      %dma_wait3A_474 = tpu.memref_slice %arg10[%dma_wait3A_472, %dma_wait3A_473] : memref<2048x8xf32, #tpu.memory_space<vmem>> -> memref<128x8xf32, #tpu.memory_space<vmem>>
      %dma_wait3A_475 = arith.constant 1536 : i32
      %dma_wait3A_476 = tpu.memref_slice %arg7[%dma_wait3A_475] : memref<2048xi32, #tpu.memory_space<vmem>> -> memref<128xi32, #tpu.memory_space<vmem>>
      %dma_wait3A_477 = arith.constant 0 : i32
      %dma_wait3A_478 = arith.constant 0 : i32
      %dma_wait3A_479 = tpu.memref_slice %arg3[%dma_wait3A_477, %dma_wait3A_478] : memref<100001x8xf32, #tpu.memory_space<hbm>> -> memref<100001x8xf32, #tpu.memory_space<hbm>>
      tpu.wait_indirect_dma semaphore(%arg12 : memref<!tpu.dma_semaphore, #tpu.memory_space<semaphore_mem>>) src(%dma_wait3A_479 : memref<100001x8xf32, #tpu.memory_space<hbm>>) dst(%dma_wait3A_474 : memref<128x8xf32, #tpu.memory_space<vmem>>)
      %dma_wait3A_480 = arith.constant 1664 : i32
      %dma_wait3A_481 = arith.constant 0 : i32
      %dma_wait3A_482 = tpu.memref_slice %arg9[%dma_wait3A_480, %dma_wait3A_481] : memref<2048x8xf32, #tpu.memory_space<vmem>> -> memref<128x8xf32, #tpu.memory_space<vmem>>
      %dma_wait3A_483 = arith.constant 1664 : i32
      %dma_wait3A_484 = tpu.memref_slice %arg6[%dma_wait3A_483] : memref<2048xi32, #tpu.memory_space<vmem>> -> memref<128xi32, #tpu.memory_space<vmem>>
      %dma_wait3A_485 = arith.constant 0 : i32
      %dma_wait3A_486 = arith.constant 0 : i32
      %dma_wait3A_487 = tpu.memref_slice %arg3[%dma_wait3A_485, %dma_wait3A_486] : memref<100001x8xf32, #tpu.memory_space<hbm>> -> memref<100001x8xf32, #tpu.memory_space<hbm>>
      tpu.wait_indirect_dma semaphore(%arg12 : memref<!tpu.dma_semaphore, #tpu.memory_space<semaphore_mem>>) src(%dma_wait3A_487 : memref<100001x8xf32, #tpu.memory_space<hbm>>) dst(%dma_wait3A_482 : memref<128x8xf32, #tpu.memory_space<vmem>>)
      %dma_wait3A_488 = arith.constant 1664 : i32
      %dma_wait3A_489 = arith.constant 0 : i32
      %dma_wait3A_490 = tpu.memref_slice %arg10[%dma_wait3A_488, %dma_wait3A_489] : memref<2048x8xf32, #tpu.memory_space<vmem>> -> memref<128x8xf32, #tpu.memory_space<vmem>>
      %dma_wait3A_491 = arith.constant 1664 : i32
      %dma_wait3A_492 = tpu.memref_slice %arg7[%dma_wait3A_491] : memref<2048xi32, #tpu.memory_space<vmem>> -> memref<128xi32, #tpu.memory_space<vmem>>
      %dma_wait3A_493 = arith.constant 0 : i32
      %dma_wait3A_494 = arith.constant 0 : i32
      %dma_wait3A_495 = tpu.memref_slice %arg3[%dma_wait3A_493, %dma_wait3A_494] : memref<100001x8xf32, #tpu.memory_space<hbm>> -> memref<100001x8xf32, #tpu.memory_space<hbm>>
      tpu.wait_indirect_dma semaphore(%arg12 : memref<!tpu.dma_semaphore, #tpu.memory_space<semaphore_mem>>) src(%dma_wait3A_495 : memref<100001x8xf32, #tpu.memory_space<hbm>>) dst(%dma_wait3A_490 : memref<128x8xf32, #tpu.memory_space<vmem>>)
      %dma_wait3A_496 = arith.constant 1792 : i32
      %dma_wait3A_497 = arith.constant 0 : i32
      %dma_wait3A_498 = tpu.memref_slice %arg9[%dma_wait3A_496, %dma_wait3A_497] : memref<2048x8xf32, #tpu.memory_space<vmem>> -> memref<128x8xf32, #tpu.memory_space<vmem>>
      %dma_wait3A_499 = arith.constant 1792 : i32
      %dma_wait3A_500 = tpu.memref_slice %arg6[%dma_wait3A_499] : memref<2048xi32, #tpu.memory_space<vmem>> -> memref<128xi32, #tpu.memory_space<vmem>>
      %dma_wait3A_501 = arith.constant 0 : i32
      %dma_wait3A_502 = arith.constant 0 : i32
      %dma_wait3A_503 = tpu.memref_slice %arg3[%dma_wait3A_501, %dma_wait3A_502] : memref<100001x8xf32, #tpu.memory_space<hbm>> -> memref<100001x8xf32, #tpu.memory_space<hbm>>
      tpu.wait_indirect_dma semaphore(%arg12 : memref<!tpu.dma_semaphore, #tpu.memory_space<semaphore_mem>>) src(%dma_wait3A_503 : memref<100001x8xf32, #tpu.memory_space<hbm>>) dst(%dma_wait3A_498 : memref<128x8xf32, #tpu.memory_space<vmem>>)
      %dma_wait3A_504 = arith.constant 1792 : i32
      %dma_wait3A_505 = arith.constant 0 : i32
      %dma_wait3A_506 = tpu.memref_slice %arg10[%dma_wait3A_504, %dma_wait3A_505] : memref<2048x8xf32, #tpu.memory_space<vmem>> -> memref<128x8xf32, #tpu.memory_space<vmem>>
      %dma_wait3A_507 = arith.constant 1792 : i32
      %dma_wait3A_508 = tpu.memref_slice %arg7[%dma_wait3A_507] : memref<2048xi32, #tpu.memory_space<vmem>> -> memref<128xi32, #tpu.memory_space<vmem>>
      %dma_wait3A_509 = arith.constant 0 : i32
      %dma_wait3A_510 = arith.constant 0 : i32
      %dma_wait3A_511 = tpu.memref_slice %arg3[%dma_wait3A_509, %dma_wait3A_510] : memref<100001x8xf32, #tpu.memory_space<hbm>> -> memref<100001x8xf32, #tpu.memory_space<hbm>>
      tpu.wait_indirect_dma semaphore(%arg12 : memref<!tpu.dma_semaphore, #tpu.memory_space<semaphore_mem>>) src(%dma_wait3A_511 : memref<100001x8xf32, #tpu.memory_space<hbm>>) dst(%dma_wait3A_506 : memref<128x8xf32, #tpu.memory_space<vmem>>)
      %dma_wait3A_512 = arith.constant 1920 : i32
      %dma_wait3A_513 = arith.constant 0 : i32
      %dma_wait3A_514 = tpu.memref_slice %arg9[%dma_wait3A_512, %dma_wait3A_513] : memref<2048x8xf32, #tpu.memory_space<vmem>> -> memref<128x8xf32, #tpu.memory_space<vmem>>
      %dma_wait3A_515 = arith.constant 1920 : i32
      %dma_wait3A_516 = tpu.memref_slice %arg6[%dma_wait3A_515] : memref<2048xi32, #tpu.memory_space<vmem>> -> memref<128xi32, #tpu.memory_space<vmem>>
      %dma_wait3A_517 = arith.constant 0 : i32
      %dma_wait3A_518 = arith.constant 0 : i32
      %dma_wait3A_519 = tpu.memref_slice %arg3[%dma_wait3A_517, %dma_wait3A_518] : memref<100001x8xf32, #tpu.memory_space<hbm>> -> memref<100001x8xf32, #tpu.memory_space<hbm>>
      tpu.wait_indirect_dma semaphore(%arg12 : memref<!tpu.dma_semaphore, #tpu.memory_space<semaphore_mem>>) src(%dma_wait3A_519 : memref<100001x8xf32, #tpu.memory_space<hbm>>) dst(%dma_wait3A_514 : memref<128x8xf32, #tpu.memory_space<vmem>>)
      %dma_wait3A_520 = arith.constant 1920 : i32
      %dma_wait3A_521 = arith.constant 0 : i32
      %dma_wait3A_522 = tpu.memref_slice %arg10[%dma_wait3A_520, %dma_wait3A_521] : memref<2048x8xf32, #tpu.memory_space<vmem>> -> memref<128x8xf32, #tpu.memory_space<vmem>>
      %dma_wait3A_523 = arith.constant 1920 : i32
      %dma_wait3A_524 = tpu.memref_slice %arg7[%dma_wait3A_523] : memref<2048xi32, #tpu.memory_space<vmem>> -> memref<128xi32, #tpu.memory_space<vmem>>
      %dma_wait3A_525 = arith.constant 0 : i32
      %dma_wait3A_526 = arith.constant 0 : i32
      %dma_wait3A_527 = tpu.memref_slice %arg3[%dma_wait3A_525, %dma_wait3A_526] : memref<100001x8xf32, #tpu.memory_space<hbm>> -> memref<100001x8xf32, #tpu.memory_space<hbm>>
      tpu.wait_indirect_dma semaphore(%arg12 : memref<!tpu.dma_semaphore, #tpu.memory_space<semaphore_mem>>) src(%dma_wait3A_527 : memref<100001x8xf32, #tpu.memory_space<hbm>>) dst(%dma_wait3A_522 : memref<128x8xf32, #tpu.memory_space<vmem>>)
      %scan3A_528 = arith.constant 0 : i32
      %scan3A_529 = arith.constant 0 : i32
      %scan3A_530 = arith.constant 64 : i32
      %scan3A_531 = arith.addi %scan3A_529, %scan3A_530 : i32
      %scan3A_532 = arith.constant 1 : i32
      scf.for %scan3A_534 = %scan3A_529 to %scan3A_531 step %scan3A_532  : i32 {
        %mul3A_535 = arith.constant 32 : i32
        %mul3A_536 = arith.muli %scan3A_534, %mul3A_535 : i32
        %iota3A = tpu.iota {dimensions = array<i32: 0>} : vector<16xi32>
        %add3A_537 = vector.broadcast %mul3A_536 : i32 to vector<16xi32>
        %add3A_538 = arith.addi %iota3A, %add3A_537 : vector<16xi32>
        %get3A = arith.index_cast %mul3A_536 : i32 to index
        %get3A_539 = tpu.vector_load %arg8[%get3A] {strides = array<i32>} : memref<2048xf32, #tpu.memory_space<vmem>>, vector<16xf32>,
        %broadcast_in_dim3A = arith.constant 0 : i32
        %broadcast_in_dim3A_540 = vector.broadcast %broadcast_in_dim3A : i32 to vector<16xi32>
        %gather3A = tpu.vector_load_idx %arg9[%add3A_538, %broadcast_in_dim3A_540] : memref<2048x8xf32, #tpu.memory_space<vmem>>[vector<16xi32>, vector<16xi32>], vector<16xf32>,
        %broadcast_in_dim3A_541 = arith.constant 1 : i32
        %broadcast_in_dim3A_542 = vector.broadcast %broadcast_in_dim3A_541 : i32 to vector<16xi32>
        %gather3A_543 = tpu.vector_load_idx %arg9[%add3A_538, %broadcast_in_dim3A_542] : memref<2048x8xf32, #tpu.memory_space<vmem>>[vector<16xi32>, vector<16xi32>], vector<16xf32>,
        %broadcast_in_dim3A_544 = arith.constant 2 : i32
        %broadcast_in_dim3A_545 = vector.broadcast %broadcast_in_dim3A_544 : i32 to vector<16xi32>
        %gather3A_546 = tpu.vector_load_idx %arg9[%add3A_538, %broadcast_in_dim3A_545] : memref<2048x8xf32, #tpu.memory_space<vmem>>[vector<16xi32>, vector<16xi32>], vector<16xf32>,
        %broadcast_in_dim3A_547 = arith.constant 3 : i32
        %broadcast_in_dim3A_548 = vector.broadcast %broadcast_in_dim3A_547 : i32 to vector<16xi32>
        %gather3A_549 = tpu.vector_load_idx %arg9[%add3A_538, %broadcast_in_dim3A_548] : memref<2048x8xf32, #tpu.memory_space<vmem>>[vector<16xi32>, vector<16xi32>], vector<16xf32>,
        %broadcast_in_dim3A_550 = arith.constant 4 : i32
        %broadcast_in_dim3A_551 = vector.broadcast %broadcast_in_dim3A_550 : i32 to vector<16xi32>
        %gather3A_552 = tpu.vector_load_idx %arg9[%add3A_538, %broadcast_in_dim3A_551] : memref<2048x8xf32, #tpu.memory_space<vmem>>[vector<16xi32>, vector<16xi32>], vector<16xf32>,
        %broadcast_in_dim3A_553 = arith.constant 5 : i32
        %broadcast_in_dim3A_554 = vector.broadcast %broadcast_in_dim3A_553 : i32 to vector<16xi32>
        %gather3A_555 = tpu.vector_load_idx %arg9[%add3A_538, %broadcast_in_dim3A_554] : memref<2048x8xf32, #tpu.memory_space<vmem>>[vector<16xi32>, vector<16xi32>], vector<16xf32>,
        %broadcast_in_dim3A_556 = arith.constant 6 : i32
        %broadcast_in_dim3A_557 = vector.broadcast %broadcast_in_dim3A_556 : i32 to vector<16xi32>
        %gather3A_558 = tpu.vector_load_idx %arg9[%add3A_538, %broadcast_in_dim3A_557] : memref<2048x8xf32, #tpu.memory_space<vmem>>[vector<16xi32>, vector<16xi32>], vector<16xf32>,
        %broadcast_in_dim3A_559 = arith.constant 0 : i32
        %broadcast_in_dim3A_560 = vector.broadcast %broadcast_in_dim3A_559 : i32 to vector<16xi32>
        %gather3A_561 = tpu.vector_load_idx %arg10[%add3A_538, %broadcast_in_dim3A_560] : memref<2048x8xf32, #tpu.memory_space<vmem>>[vector<16xi32>, vector<16xi32>], vector<16xf32>,
        %broadcast_in_dim3A_562 = arith.constant 1 : i32
        %broadcast_in_dim3A_563 = vector.broadcast %broadcast_in_dim3A_562 : i32 to vector<16xi32>
        %gather3A_564 = tpu.vector_load_idx %arg10[%add3A_538, %broadcast_in_dim3A_563] : memref<2048x8xf32, #tpu.memory_space<vmem>>[vector<16xi32>, vector<16xi32>], vector<16xf32>,
        %broadcast_in_dim3A_565 = arith.constant 2 : i32
        %broadcast_in_dim3A_566 = vector.broadcast %broadcast_in_dim3A_565 : i32 to vector<16xi32>
        %gather3A_567 = tpu.vector_load_idx %arg10[%add3A_538, %broadcast_in_dim3A_566] : memref<2048x8xf32, #tpu.memory_space<vmem>>[vector<16xi32>, vector<16xi32>], vector<16xf32>,
        %broadcast_in_dim3A_568 = arith.constant 3 : i32
        %broadcast_in_dim3A_569 = vector.broadcast %broadcast_in_dim3A_568 : i32 to vector<16xi32>
        %gather3A_570 = tpu.vector_load_idx %arg10[%add3A_538, %broadcast_in_dim3A_569] : memref<2048x8xf32, #tpu.memory_space<vmem>>[vector<16xi32>, vector<16xi32>], vector<16xf32>,
        %broadcast_in_dim3A_571 = arith.constant 4 : i32
        %broadcast_in_dim3A_572 = vector.broadcast %broadcast_in_dim3A_571 : i32 to vector<16xi32>
        %gather3A_573 = tpu.vector_load_idx %arg10[%add3A_538, %broadcast_in_dim3A_572] : memref<2048x8xf32, #tpu.memory_space<vmem>>[vector<16xi32>, vector<16xi32>], vector<16xf32>,
        %broadcast_in_dim3A_574 = arith.constant 5 : i32
        %broadcast_in_dim3A_575 = vector.broadcast %broadcast_in_dim3A_574 : i32 to vector<16xi32>
        %gather3A_576 = tpu.vector_load_idx %arg10[%add3A_538, %broadcast_in_dim3A_575] : memref<2048x8xf32, #tpu.memory_space<vmem>>[vector<16xi32>, vector<16xi32>], vector<16xf32>,
        %broadcast_in_dim3A_577 = arith.constant 6 : i32
        %broadcast_in_dim3A_578 = vector.broadcast %broadcast_in_dim3A_577 : i32 to vector<16xi32>
        %gather3A_579 = tpu.vector_load_idx %arg10[%add3A_538, %broadcast_in_dim3A_578] : memref<2048x8xf32, #tpu.memory_space<vmem>>[vector<16xi32>, vector<16xi32>], vector<16xf32>,
        %sub3A = arith.subf %gather3A_561, %gather3A : vector<16xf32>
        %mul3A_580 = arith.mulf %get3A_539, %sub3A : vector<16xf32>
        %add3A_581 = arith.addf %gather3A, %mul3A_580 : vector<16xf32>
        %sub3A_582 = arith.subf %gather3A_564, %gather3A_543 : vector<16xf32>
        %mul3A_583 = arith.mulf %get3A_539, %sub3A_582 : vector<16xf32>
        %add3A_584 = arith.addf %gather3A_543, %mul3A_583 : vector<16xf32>
        %sub3A_585 = arith.subf %gather3A_567, %gather3A_546 : vector<16xf32>
        %mul3A_586 = arith.mulf %get3A_539, %sub3A_585 : vector<16xf32>
        %add3A_587 = arith.addf %gather3A_546, %mul3A_586 : vector<16xf32>
        %neg3A = arith.constant 0.000000e+00 : f32
        %neg3A_588 = vector.broadcast %neg3A : f32 to vector<16xf32>
        %neg3A_589 = arith.subf %neg3A_588, %gather3A_549 : vector<16xf32>
        %neg3A_590 = arith.constant 0.000000e+00 : f32
        %neg3A_591 = vector.broadcast %neg3A_590 : f32 to vector<16xf32>
        %neg3A_592 = arith.subf %neg3A_591, %gather3A_552 : vector<16xf32>
        %neg3A_593 = arith.constant 0.000000e+00 : f32
        %neg3A_594 = vector.broadcast %neg3A_593 : f32 to vector<16xf32>
        %neg3A_595 = arith.subf %neg3A_594, %gather3A_555 : vector<16xf32>
        %mul3A_596 = arith.mulf %gather3A_558, %gather3A_570 : vector<16xf32>
        %mul3A_597 = arith.mulf %neg3A_589, %gather3A_579 : vector<16xf32>
        %add3A_598 = arith.addf %mul3A_596, %mul3A_597 : vector<16xf32>
        %mul3A_599 = arith.mulf %neg3A_592, %gather3A_576 : vector<16xf32>
        %add3A_600 = arith.addf %add3A_598, %mul3A_599 : vector<16xf32>
        %mul3A_601 = arith.mulf %neg3A_595, %gather3A_573 : vector<16xf32>
        %sub3A_602 = arith.subf %add3A_600, %mul3A_601 : vector<16xf32>
        %mul3A_603 = arith.mulf %gather3A_558, %gather3A_573 : vector<16xf32>
        %mul3A_604 = arith.mulf %neg3A_589, %gather3A_576 : vector<16xf32>
        %sub3A_605 = arith.subf %mul3A_603, %mul3A_604 : vector<16xf32>
        %mul3A_606 = arith.mulf %neg3A_592, %gather3A_579 : vector<16xf32>
        %add3A_607 = arith.addf %sub3A_605, %mul3A_606 : vector<16xf32>
        %mul3A_608 = arith.mulf %neg3A_595, %gather3A_570 : vector<16xf32>
        %add3A_609 = arith.addf %add3A_607, %mul3A_608 : vector<16xf32>
        %mul3A_610 = arith.mulf %gather3A_558, %gather3A_576 : vector<16xf32>
        %mul3A_611 = arith.mulf %neg3A_589, %gather3A_573 : vector<16xf32>
        %add3A_612 = arith.addf %mul3A_610, %mul3A_611 : vector<16xf32>
        %mul3A_613 = arith.mulf %neg3A_592, %gather3A_570 : vector<16xf32>
        %sub3A_614 = arith.subf %add3A_612, %mul3A_613 : vector<16xf32>
        %mul3A_615 = arith.mulf %neg3A_595, %gather3A_579 : vector<16xf32>
        %add3A_616 = arith.addf %sub3A_614, %mul3A_615 : vector<16xf32>
        %mul3A_617 = arith.mulf %gather3A_558, %gather3A_579 : vector<16xf32>
        %mul3A_618 = arith.mulf %neg3A_589, %gather3A_570 : vector<16xf32>
        %sub3A_619 = arith.subf %mul3A_617, %mul3A_618 : vector<16xf32>
        %mul3A_620 = arith.mulf %neg3A_592, %gather3A_573 : vector<16xf32>
        %sub3A_621 = arith.subf %sub3A_619, %mul3A_620 : vector<16xf32>
        %mul3A_622 = arith.mulf %neg3A_595, %gather3A_576 : vector<16xf32>
        %sub3A_623 = arith.subf %sub3A_621, %mul3A_622 : vector<16xf32>
        %mul3A_624 = arith.mulf %sub3A_602, %sub3A_602 : vector<16xf32>
        %mul3A_625 = arith.mulf %add3A_609, %add3A_609 : vector<16xf32>
        %add3A_626 = arith.addf %mul3A_624, %mul3A_625 : vector<16xf32>
        %mul3A_627 = arith.mulf %add3A_616, %add3A_616 : vector<16xf32>
        %add3A_628 = arith.addf %add3A_626, %mul3A_627 : vector<16xf32>
        %add3A_629 = arith.constant 1.000000e-30 : f32
        %add3A_630 = vector.broadcast %add3A_629 : f32 to vector<16xf32>
        %add3A_631 = arith.addf %add3A_628, %add3A_630 : vector<16xf32>
        %bitcast3A = vector.bitcast %add3A_631 : vector<16xf32> to vector<16xi32>
        %shift_right_logical3A = arith.constant 1 : i32
        %shift_right_logical3A_632 = vector.broadcast %shift_right_logical3A : i32 to vector<16xi32>
        %shift_right_logical3A_633 = arith.shrui %bitcast3A, %shift_right_logical3A_632 : vector<16xi32>
        %sub3A_634 = arith.constant 1597463007 : i32
        %sub3A_635 = vector.broadcast %sub3A_634 : i32 to vector<16xi32>
        %sub3A_636 = arith.subi %sub3A_635, %shift_right_logical3A_633 : vector<16xi32>
        %bitcast3A_637 = vector.bitcast %sub3A_636 : vector<16xi32> to vector<16xf32>
        %mul3A_638 = arith.constant 5.000000e-01 : f32
        %mul3A_639 = vector.broadcast %mul3A_638 : f32 to vector<16xf32>
        %mul3A_640 = arith.mulf %mul3A_639, %add3A_631 : vector<16xf32>
        %mul3A_641 = arith.mulf %mul3A_640, %bitcast3A_637 : vector<16xf32>
        %mul3A_642 = arith.mulf %mul3A_641, %bitcast3A_637 : vector<16xf32>
        %sub3A_643 = arith.constant 1.500000e+00 : f32
        %sub3A_644 = vector.broadcast %sub3A_643 : f32 to vector<16xf32>
        %sub3A_645 = arith.subf %sub3A_644, %mul3A_642 : vector<16xf32>
        %mul3A_646 = arith.mulf %bitcast3A_637, %sub3A_645 : vector<16xf32>
        %mul3A_647 = arith.constant 5.000000e-01 : f32
        %mul3A_648 = vector.broadcast %mul3A_647 : f32 to vector<16xf32>
        %mul3A_649 = arith.mulf %mul3A_648, %add3A_631 : vector<16xf32>
        %mul3A_650 = arith.mulf %mul3A_649, %mul3A_646 : vector<16xf32>
        %mul3A_651 = arith.mulf %mul3A_650, %mul3A_646 : vector<16xf32>
        %sub3A_652 = arith.constant 1.500000e+00 : f32
        %sub3A_653 = vector.broadcast %sub3A_652 : f32 to vector<16xf32>
        %sub3A_654 = arith.subf %sub3A_653, %mul3A_651 : vector<16xf32>
        %mul3A_655 = arith.mulf %mul3A_646, %sub3A_654 : vector<16xf32>
        %mul3A_656 = arith.mulf %add3A_631, %mul3A_655 : vector<16xf32>
        %abs3A = math.absf %sub3A_623 : vector<16xf32>
        %min3A = arith.minimumf %mul3A_656, %abs3A : vector<16xf32>
        %max3A = arith.maximumf %mul3A_656, %abs3A : vector<16xf32>
        %div3A = arith.divf %min3A, %max3A : vector<16xf32>
        %mul3A_657 = arith.mulf %div3A, %div3A : vector<16xf32>
        %broadcast_in_dim3A_658 = arith.constant -0.00461080391 : f32
        %broadcast_in_dim3A_659 = vector.broadcast %broadcast_in_dim3A_658 : f32 to vector<16xf32>
        %mul3A_660 = arith.mulf %broadcast_in_dim3A_659, %mul3A_657 : vector<16xf32>
        %add3A_661 = arith.constant 0.0238683745 : f32
        %add3A_662 = vector.broadcast %add3A_661 : f32 to vector<16xf32>
        %add3A_663 = arith.addf %mul3A_660, %add3A_662 : vector<16xf32>
        %mul3A_664 = arith.mulf %add3A_663, %mul3A_657 : vector<16xf32>
        %add3A_665 = arith.constant -0.0588004515 : f32
        %add3A_666 = vector.broadcast %add3A_665 : f32 to vector<16xf32>
        %add3A_667 = arith.addf %mul3A_664, %add3A_666 : vector<16xf32>
        %mul3A_668 = arith.mulf %add3A_667, %mul3A_657 : vector<16xf32>
        %add3A_669 = arith.constant 0.0985383391 : f32
        %add3A_670 = vector.broadcast %add3A_669 : f32 to vector<16xf32>
        %add3A_671 = arith.addf %mul3A_668, %add3A_670 : vector<16xf32>
        %mul3A_672 = arith.mulf %add3A_671, %mul3A_657 : vector<16xf32>
        %add3A_673 = arith.constant -0.139917061 : f32
        %add3A_674 = vector.broadcast %add3A_673 : f32 to vector<16xf32>
        %add3A_675 = arith.addf %mul3A_672, %add3A_674 : vector<16xf32>
        %mul3A_676 = arith.mulf %add3A_675, %mul3A_657 : vector<16xf32>
        %add3A_677 = arith.constant 0.199633554 : f32
        %add3A_678 = vector.broadcast %add3A_677 : f32 to vector<16xf32>
        %add3A_679 = arith.addf %mul3A_676, %add3A_678 : vector<16xf32>
        %mul3A_680 = arith.mulf %add3A_679, %mul3A_657 : vector<16xf32>
        %add3A_681 = arith.constant -0.333313704 : f32
        %add3A_682 = vector.broadcast %add3A_681 : f32 to vector<16xf32>
        %add3A_683 = arith.addf %mul3A_680, %add3A_682 : vector<16xf32>
        %mul3A_684 = arith.mulf %add3A_683, %mul3A_657 : vector<16xf32>
        %add3A_685 = arith.constant 0.999999761 : f32
        %add3A_686 = vector.broadcast %add3A_685 : f32 to vector<16xf32>
        %add3A_687 = arith.addf %mul3A_684, %add3A_686 : vector<16xf32>
        %mul3A_688 = arith.mulf %div3A, %add3A_687 : vector<16xf32>
        %gt3A = arith.cmpf ogt, %mul3A_656, %abs3A : vector<16xf32>
        %sub3A_689 = arith.constant 1.57079637 : f32
        %sub3A_690 = vector.broadcast %sub3A_689 : f32 to vector<16xf32>
        %sub3A_691 = arith.subf %sub3A_690, %mul3A_688 : vector<16xf32>
        %select_n3A = arith.select %gt3A, %sub3A_691, %mul3A_688 : vector<16xi1>, vector<16xf32>
        %lt3A = arith.constant 0.000000e+00 : f32
        %lt3A_692 = vector.broadcast %lt3A : f32 to vector<16xf32>
        %lt3A_693 = arith.cmpf olt, %sub3A_623, %lt3A_692 : vector<16xf32>
        %sub3A_694 = arith.constant 3.14159274 : f32
        %sub3A_695 = vector.broadcast %sub3A_694 : f32 to vector<16xf32>
        %sub3A_696 = arith.subf %sub3A_695, %select_n3A : vector<16xf32>
        %select_n3A_697 = arith.select %lt3A_693, %sub3A_696, %select_n3A : vector<16xi1>, vector<16xf32>
        %mul3A_698 = arith.constant 2.000000e+00 : f32
        %mul3A_699 = vector.broadcast %mul3A_698 : f32 to vector<16xf32>
        %mul3A_700 = arith.mulf %mul3A_699, %select_n3A_697 : vector<16xf32>
        %mul3A_701 = arith.mulf %mul3A_700, %mul3A_655 : vector<16xf32>
        %mul3A_702 = arith.mulf %get3A_539, %mul3A_701 : vector<16xf32>
        %mul3A_703 = arith.mulf %sub3A_602, %mul3A_702 : vector<16xf32>
        %mul3A_704 = arith.mulf %add3A_609, %mul3A_702 : vector<16xf32>
        %mul3A_705 = arith.mulf %add3A_616, %mul3A_702 : vector<16xf32>
        %mul3A_706 = arith.mulf %get3A_539, %mul3A_700 : vector<16xf32>
        %mul3A_707 = arith.constant 5.000000e-01 : f32
        %mul3A_708 = vector.broadcast %mul3A_707 : f32 to vector<16xf32>
        %mul3A_709 = arith.mulf %mul3A_708, %mul3A_706 : vector<16xf32>
        %mul3A_710 = arith.mulf %mul3A_709, %mul3A_709 : vector<16xf32>
        %broadcast_in_dim3A_711 = arith.constant -2.06959694E-8 : f32
        %broadcast_in_dim3A_712 = vector.broadcast %broadcast_in_dim3A_711 : f32 to vector<16xf32>
        %mul3A_713 = arith.mulf %broadcast_in_dim3A_712, %mul3A_710 : vector<16xf32>
        %add3A_714 = arith.constant 2.70832606E-6 : f32
        %add3A_715 = vector.broadcast %add3A_714 : f32 to vector<16xf32>
        %add3A_716 = arith.addf %mul3A_713, %add3A_715 : vector<16xf32>
        %mul3A_717 = arith.mulf %add3A_716, %mul3A_710 : vector<16xf32>
        %add3A_718 = arith.constant -1.98166919E-4 : f32
        %add3A_719 = vector.broadcast %add3A_718 : f32 to vector<16xf32>
        %add3A_720 = arith.addf %mul3A_717, %add3A_719 : vector<16xf32>
        %mul3A_721 = arith.mulf %add3A_720, %mul3A_710 : vector<16xf32>
        %add3A_722 = arith.constant 0.00833273213 : f32
        %add3A_723 = vector.broadcast %add3A_722 : f32 to vector<16xf32>
        %add3A_724 = arith.addf %mul3A_721, %add3A_723 : vector<16xf32>
        %mul3A_725 = arith.mulf %add3A_724, %mul3A_710 : vector<16xf32>
        %add3A_726 = arith.constant -0.166666076 : f32
        %add3A_727 = vector.broadcast %add3A_726 : f32 to vector<16xf32>
        %add3A_728 = arith.addf %mul3A_725, %add3A_727 : vector<16xf32>
        %mul3A_729 = arith.mulf %add3A_728, %mul3A_710 : vector<16xf32>
        %add3A_730 = arith.constant 0.99999988 : f32
        %add3A_731 = vector.broadcast %add3A_730 : f32 to vector<16xf32>
        %add3A_732 = arith.addf %mul3A_729, %add3A_731 : vector<16xf32>
        %mul3A_733 = arith.constant 5.000000e-01 : f32
        %mul3A_734 = vector.broadcast %mul3A_733 : f32 to vector<16xf32>
        %mul3A_735 = arith.mulf %mul3A_734, %add3A_732 : vector<16xf32>
        %broadcast_in_dim3A_736 = arith.constant 1.7243752E-9 : f32
        %broadcast_in_dim3A_737 = vector.broadcast %broadcast_in_dim3A_736 : f32 to vector<16xf32>
        %mul3A_738 = arith.mulf %broadcast_in_dim3A_737, %mul3A_710 : vector<16xf32>
        %add3A_739 = arith.constant -2.70754498E-7 : f32
        %add3A_740 = vector.broadcast %add3A_739 : f32 to vector<16xf32>
        %add3A_741 = arith.addf %mul3A_738, %add3A_740 : vector<16xf32>
        %mul3A_742 = arith.mulf %add3A_741, %mul3A_710 : vector<16xf32>
        %add3A_743 = arith.constant 2.47690532E-5 : f32
        %add3A_744 = vector.broadcast %add3A_743 : f32 to vector<16xf32>
        %add3A_745 = arith.addf %mul3A_742, %add3A_744 : vector<16xf32>
        %mul3A_746 = arith.mulf %add3A_745, %mul3A_710 : vector<16xf32>
        %add3A_747 = arith.constant -0.00138877321 : f32
        %add3A_748 = vector.broadcast %add3A_747 : f32 to vector<16xf32>
        %add3A_749 = arith.addf %mul3A_746, %add3A_748 : vector<16xf32>
        %mul3A_750 = arith.mulf %add3A_749, %mul3A_710 : vector<16xf32>
        %add3A_751 = arith.constant 0.041666463 : f32
        %add3A_752 = vector.broadcast %add3A_751 : f32 to vector<16xf32>
        %add3A_753 = arith.addf %mul3A_750, %add3A_752 : vector<16xf32>
        %mul3A_754 = arith.mulf %add3A_753, %mul3A_710 : vector<16xf32>
        %add3A_755 = arith.constant -0.499999851 : f32
        %add3A_756 = vector.broadcast %add3A_755 : f32 to vector<16xf32>
        %add3A_757 = arith.addf %mul3A_754, %add3A_756 : vector<16xf32>
        %mul3A_758 = arith.mulf %add3A_757, %mul3A_710 : vector<16xf32>
        %add3A_759 = arith.constant 1.000000e+00 : f32
        %add3A_760 = vector.broadcast %add3A_759 : f32 to vector<16xf32>
        %add3A_761 = arith.addf %mul3A_758, %add3A_760 : vector<16xf32>
        %mul3A_762 = arith.mulf %mul3A_703, %mul3A_735 : vector<16xf32>
        %mul3A_763 = arith.mulf %mul3A_704, %mul3A_735 : vector<16xf32>
        %mul3A_764 = arith.mulf %mul3A_705, %mul3A_735 : vector<16xf32>
        %mul3A_765 = arith.mulf %gather3A_558, %mul3A_762 : vector<16xf32>
        %mul3A_766 = arith.mulf %gather3A_549, %add3A_761 : vector<16xf32>
        %add3A_767 = arith.addf %mul3A_765, %mul3A_766 : vector<16xf32>
        %mul3A_768 = arith.mulf %gather3A_552, %mul3A_764 : vector<16xf32>
        %add3A_769 = arith.addf %add3A_767, %mul3A_768 : vector<16xf32>
        %mul3A_770 = arith.mulf %gather3A_555, %mul3A_763 : vector<16xf32>
        %sub3A_771 = arith.subf %add3A_769, %mul3A_770 : vector<16xf32>
        %mul3A_772 = arith.mulf %gather3A_558, %mul3A_763 : vector<16xf32>
        %mul3A_773 = arith.mulf %gather3A_549, %mul3A_764 : vector<16xf32>
        %sub3A_774 = arith.subf %mul3A_772, %mul3A_773 : vector<16xf32>
        %mul3A_775 = arith.mulf %gather3A_552, %add3A_761 : vector<16xf32>
        %add3A_776 = arith.addf %sub3A_774, %mul3A_775 : vector<16xf32>
        %mul3A_777 = arith.mulf %gather3A_555, %mul3A_762 : vector<16xf32>
        %add3A_778 = arith.addf %add3A_776, %mul3A_777 : vector<16xf32>
        %mul3A_779 = arith.mulf %gather3A_558, %mul3A_764 : vector<16xf32>
        %mul3A_780 = arith.mulf %gather3A_549, %mul3A_763 : vector<16xf32>
        %add3A_781 = arith.addf %mul3A_779, %mul3A_780 : vector<16xf32>
        %mul3A_782 = arith.mulf %gather3A_552, %mul3A_762 : vector<16xf32>
        %sub3A_783 = arith.subf %add3A_781, %mul3A_782 : vector<16xf32>
        %mul3A_784 = arith.mulf %gather3A_555, %add3A_761 : vector<16xf32>
        %add3A_785 = arith.addf %sub3A_783, %mul3A_784 : vector<16xf32>
        %mul3A_786 = arith.mulf %gather3A_558, %add3A_761 : vector<16xf32>
        %mul3A_787 = arith.mulf %gather3A_549, %mul3A_762 : vector<16xf32>
        %sub3A_788 = arith.subf %mul3A_786, %mul3A_787 : vector<16xf32>
        %mul3A_789 = arith.mulf %gather3A_552, %mul3A_763 : vector<16xf32>
        %sub3A_790 = arith.subf %sub3A_788, %mul3A_789 : vector<16xf32>
        %mul3A_791 = arith.mulf %gather3A_555, %mul3A_764 : vector<16xf32>
        %sub3A_792 = arith.subf %sub3A_790, %mul3A_791 : vector<16xf32>
        %broadcast_in_dim3A_793 = arith.constant 0 : i32
        %broadcast_in_dim3A_794 = vector.broadcast %broadcast_in_dim3A_793 : i32 to vector<16xi32>
        tpu.vector_store_idx %arg11[%add3A_538, %broadcast_in_dim3A_794], %add3A_581 : memref<2048x7xf32, #tpu.memory_space<vmem>>[vector<16xi32>, vector<16xi32>], vector<16xf32>,
        %broadcast_in_dim3A_795 = arith.constant 1 : i32
        %broadcast_in_dim3A_796 = vector.broadcast %broadcast_in_dim3A_795 : i32 to vector<16xi32>
        tpu.vector_store_idx %arg11[%add3A_538, %broadcast_in_dim3A_796], %add3A_584 : memref<2048x7xf32, #tpu.memory_space<vmem>>[vector<16xi32>, vector<16xi32>], vector<16xf32>,
        %broadcast_in_dim3A_797 = arith.constant 2 : i32
        %broadcast_in_dim3A_798 = vector.broadcast %broadcast_in_dim3A_797 : i32 to vector<16xi32>
        tpu.vector_store_idx %arg11[%add3A_538, %broadcast_in_dim3A_798], %add3A_587 : memref<2048x7xf32, #tpu.memory_space<vmem>>[vector<16xi32>, vector<16xi32>], vector<16xf32>,
        %broadcast_in_dim3A_799 = arith.constant 3 : i32
        %broadcast_in_dim3A_800 = vector.broadcast %broadcast_in_dim3A_799 : i32 to vector<16xi32>
        tpu.vector_store_idx %arg11[%add3A_538, %broadcast_in_dim3A_800], %sub3A_771 : memref<2048x7xf32, #tpu.memory_space<vmem>>[vector<16xi32>, vector<16xi32>], vector<16xf32>,
        %broadcast_in_dim3A_801 = arith.constant 4 : i32
        %broadcast_in_dim3A_802 = vector.broadcast %broadcast_in_dim3A_801 : i32 to vector<16xi32>
        tpu.vector_store_idx %arg11[%add3A_538, %broadcast_in_dim3A_802], %add3A_778 : memref<2048x7xf32, #tpu.memory_space<vmem>>[vector<16xi32>, vector<16xi32>], vector<16xf32>,
        %broadcast_in_dim3A_803 = arith.constant 5 : i32
        %broadcast_in_dim3A_804 = vector.broadcast %broadcast_in_dim3A_803 : i32 to vector<16xi32>
        tpu.vector_store_idx %arg11[%add3A_538, %broadcast_in_dim3A_804], %add3A_785 : memref<2048x7xf32, #tpu.memory_space<vmem>>[vector<16xi32>, vector<16xi32>], vector<16xf32>,
        %broadcast_in_dim3A_805 = arith.constant 6 : i32
        %broadcast_in_dim3A_806 = vector.broadcast %broadcast_in_dim3A_805 : i32 to vector<16xi32>
        tpu.vector_store_idx %arg11[%add3A_538, %broadcast_in_dim3A_806], %sub3A_792 : memref<2048x7xf32, #tpu.memory_space<vmem>>[vector<16xi32>, vector<16xi32>], vector<16xf32>,
        %mul3A_807 = arith.constant 32 : i32
        %mul3A_808 = arith.muli %scan3A_534, %mul3A_807 : i32
        %add3A_809 = arith.constant 16 : i32
        %add3A_810 = arith.addi %mul3A_808, %add3A_809 : i32
        %iota3A_811 = tpu.iota {dimensions = array<i32: 0>} : vector<16xi32>
        %add3A_812 = vector.broadcast %add3A_810 : i32 to vector<16xi32>
        %add3A_813 = arith.addi %iota3A_811, %add3A_812 : vector<16xi32>
        %get3A_814 = arith.index_cast %add3A_810 : i32 to index
        %get3A_815 = tpu.vector_load %arg8[%get3A_814] {strides = array<i32>} : memref<2048xf32, #tpu.memory_space<vmem>>, vector<16xf32>,
        %broadcast_in_dim3A_816 = arith.constant 0 : i32
        %broadcast_in_dim3A_817 = vector.broadcast %broadcast_in_dim3A_816 : i32 to vector<16xi32>
        %gather3A_818 = tpu.vector_load_idx %arg9[%add3A_813, %broadcast_in_dim3A_817] : memref<2048x8xf32, #tpu.memory_space<vmem>>[vector<16xi32>, vector<16xi32>], vector<16xf32>,
        %broadcast_in_dim3A_819 = arith.constant 1 : i32
        %broadcast_in_dim3A_820 = vector.broadcast %broadcast_in_dim3A_819 : i32 to vector<16xi32>
        %gather3A_821 = tpu.vector_load_idx %arg9[%add3A_813, %broadcast_in_dim3A_820] : memref<2048x8xf32, #tpu.memory_space<vmem>>[vector<16xi32>, vector<16xi32>], vector<16xf32>,
        %broadcast_in_dim3A_822 = arith.constant 2 : i32
        %broadcast_in_dim3A_823 = vector.broadcast %broadcast_in_dim3A_822 : i32 to vector<16xi32>
        %gather3A_824 = tpu.vector_load_idx %arg9[%add3A_813, %broadcast_in_dim3A_823] : memref<2048x8xf32, #tpu.memory_space<vmem>>[vector<16xi32>, vector<16xi32>], vector<16xf32>,
        %broadcast_in_dim3A_825 = arith.constant 3 : i32
        %broadcast_in_dim3A_826 = vector.broadcast %broadcast_in_dim3A_825 : i32 to vector<16xi32>
        %gather3A_827 = tpu.vector_load_idx %arg9[%add3A_813, %broadcast_in_dim3A_826] : memref<2048x8xf32, #tpu.memory_space<vmem>>[vector<16xi32>, vector<16xi32>], vector<16xf32>,
        %broadcast_in_dim3A_828 = arith.constant 4 : i32
        %broadcast_in_dim3A_829 = vector.broadcast %broadcast_in_dim3A_828 : i32 to vector<16xi32>
        %gather3A_830 = tpu.vector_load_idx %arg9[%add3A_813, %broadcast_in_dim3A_829] : memref<2048x8xf32, #tpu.memory_space<vmem>>[vector<16xi32>, vector<16xi32>], vector<16xf32>,
        %broadcast_in_dim3A_831 = arith.constant 5 : i32
        %broadcast_in_dim3A_832 = vector.broadcast %broadcast_in_dim3A_831 : i32 to vector<16xi32>
        %gather3A_833 = tpu.vector_load_idx %arg9[%add3A_813, %broadcast_in_dim3A_832] : memref<2048x8xf32, #tpu.memory_space<vmem>>[vector<16xi32>, vector<16xi32>], vector<16xf32>,
        %broadcast_in_dim3A_834 = arith.constant 6 : i32
        %broadcast_in_dim3A_835 = vector.broadcast %broadcast_in_dim3A_834 : i32 to vector<16xi32>
        %gather3A_836 = tpu.vector_load_idx %arg9[%add3A_813, %broadcast_in_dim3A_835] : memref<2048x8xf32, #tpu.memory_space<vmem>>[vector<16xi32>, vector<16xi32>], vector<16xf32>,
        %broadcast_in_dim3A_837 = arith.constant 0 : i32
        %broadcast_in_dim3A_838 = vector.broadcast %broadcast_in_dim3A_837 : i32 to vector<16xi32>
        %gather3A_839 = tpu.vector_load_idx %arg10[%add3A_813, %broadcast_in_dim3A_838] : memref<2048x8xf32, #tpu.memory_space<vmem>>[vector<16xi32>, vector<16xi32>], vector<16xf32>,
        %broadcast_in_dim3A_840 = arith.constant 1 : i32
        %broadcast_in_dim3A_841 = vector.broadcast %broadcast_in_dim3A_840 : i32 to vector<16xi32>
        %gather3A_842 = tpu.vector_load_idx %arg10[%add3A_813, %broadcast_in_dim3A_841] : memref<2048x8xf32, #tpu.memory_space<vmem>>[vector<16xi32>, vector<16xi32>], vector<16xf32>,
        %broadcast_in_dim3A_843 = arith.constant 2 : i32
        %broadcast_in_dim3A_844 = vector.broadcast %broadcast_in_dim3A_843 : i32 to vector<16xi32>
        %gather3A_845 = tpu.vector_load_idx %arg10[%add3A_813, %broadcast_in_dim3A_844] : memref<2048x8xf32, #tpu.memory_space<vmem>>[vector<16xi32>, vector<16xi32>], vector<16xf32>,
        %broadcast_in_dim3A_846 = arith.constant 3 : i32
        %broadcast_in_dim3A_847 = vector.broadcast %broadcast_in_dim3A_846 : i32 to vector<16xi32>
        %gather3A_848 = tpu.vector_load_idx %arg10[%add3A_813, %broadcast_in_dim3A_847] : memref<2048x8xf32, #tpu.memory_space<vmem>>[vector<16xi32>, vector<16xi32>], vector<16xf32>,
        %broadcast_in_dim3A_849 = arith.constant 4 : i32
        %broadcast_in_dim3A_850 = vector.broadcast %broadcast_in_dim3A_849 : i32 to vector<16xi32>
        %gather3A_851 = tpu.vector_load_idx %arg10[%add3A_813, %broadcast_in_dim3A_850] : memref<2048x8xf32, #tpu.memory_space<vmem>>[vector<16xi32>, vector<16xi32>], vector<16xf32>,
        %broadcast_in_dim3A_852 = arith.constant 5 : i32
        %broadcast_in_dim3A_853 = vector.broadcast %broadcast_in_dim3A_852 : i32 to vector<16xi32>
        %gather3A_854 = tpu.vector_load_idx %arg10[%add3A_813, %broadcast_in_dim3A_853] : memref<2048x8xf32, #tpu.memory_space<vmem>>[vector<16xi32>, vector<16xi32>], vector<16xf32>,
        %broadcast_in_dim3A_855 = arith.constant 6 : i32
        %broadcast_in_dim3A_856 = vector.broadcast %broadcast_in_dim3A_855 : i32 to vector<16xi32>
        %gather3A_857 = tpu.vector_load_idx %arg10[%add3A_813, %broadcast_in_dim3A_856] : memref<2048x8xf32, #tpu.memory_space<vmem>>[vector<16xi32>, vector<16xi32>], vector<16xf32>,
        %sub3A_858 = arith.subf %gather3A_839, %gather3A_818 : vector<16xf32>
        %mul3A_859 = arith.mulf %get3A_815, %sub3A_858 : vector<16xf32>
        %add3A_860 = arith.addf %gather3A_818, %mul3A_859 : vector<16xf32>
        %sub3A_861 = arith.subf %gather3A_842, %gather3A_821 : vector<16xf32>
        %mul3A_862 = arith.mulf %get3A_815, %sub3A_861 : vector<16xf32>
        %add3A_863 = arith.addf %gather3A_821, %mul3A_862 : vector<16xf32>
        %sub3A_864 = arith.subf %gather3A_845, %gather3A_824 : vector<16xf32>
        %mul3A_865 = arith.mulf %get3A_815, %sub3A_864 : vector<16xf32>
        %add3A_866 = arith.addf %gather3A_824, %mul3A_865 : vector<16xf32>
        %neg3A_867 = arith.constant 0.000000e+00 : f32
        %neg3A_868 = vector.broadcast %neg3A_867 : f32 to vector<16xf32>
        %neg3A_869 = arith.subf %neg3A_868, %gather3A_827 : vector<16xf32>
        %neg3A_870 = arith.constant 0.000000e+00 : f32
        %neg3A_871 = vector.broadcast %neg3A_870 : f32 to vector<16xf32>
        %neg3A_872 = arith.subf %neg3A_871, %gather3A_830 : vector<16xf32>
        %neg3A_873 = arith.constant 0.000000e+00 : f32
        %neg3A_874 = vector.broadcast %neg3A_873 : f32 to vector<16xf32>
        %neg3A_875 = arith.subf %neg3A_874, %gather3A_833 : vector<16xf32>
        %mul3A_876 = arith.mulf %gather3A_836, %gather3A_848 : vector<16xf32>
        %mul3A_877 = arith.mulf %neg3A_869, %gather3A_857 : vector<16xf32>
        %add3A_878 = arith.addf %mul3A_876, %mul3A_877 : vector<16xf32>
        %mul3A_879 = arith.mulf %neg3A_872, %gather3A_854 : vector<16xf32>
        %add3A_880 = arith.addf %add3A_878, %mul3A_879 : vector<16xf32>
        %mul3A_881 = arith.mulf %neg3A_875, %gather3A_851 : vector<16xf32>
        %sub3A_882 = arith.subf %add3A_880, %mul3A_881 : vector<16xf32>
        %mul3A_883 = arith.mulf %gather3A_836, %gather3A_851 : vector<16xf32>
        %mul3A_884 = arith.mulf %neg3A_869, %gather3A_854 : vector<16xf32>
        %sub3A_885 = arith.subf %mul3A_883, %mul3A_884 : vector<16xf32>
        %mul3A_886 = arith.mulf %neg3A_872, %gather3A_857 : vector<16xf32>
        %add3A_887 = arith.addf %sub3A_885, %mul3A_886 : vector<16xf32>
        %mul3A_888 = arith.mulf %neg3A_875, %gather3A_848 : vector<16xf32>
        %add3A_889 = arith.addf %add3A_887, %mul3A_888 : vector<16xf32>
        %mul3A_890 = arith.mulf %gather3A_836, %gather3A_854 : vector<16xf32>
        %mul3A_891 = arith.mulf %neg3A_869, %gather3A_851 : vector<16xf32>
        %add3A_892 = arith.addf %mul3A_890, %mul3A_891 : vector<16xf32>
        %mul3A_893 = arith.mulf %neg3A_872, %gather3A_848 : vector<16xf32>
        %sub3A_894 = arith.subf %add3A_892, %mul3A_893 : vector<16xf32>
        %mul3A_895 = arith.mulf %neg3A_875, %gather3A_857 : vector<16xf32>
        %add3A_896 = arith.addf %sub3A_894, %mul3A_895 : vector<16xf32>
        %mul3A_897 = arith.mulf %gather3A_836, %gather3A_857 : vector<16xf32>
        %mul3A_898 = arith.mulf %neg3A_869, %gather3A_848 : vector<16xf32>
        %sub3A_899 = arith.subf %mul3A_897, %mul3A_898 : vector<16xf32>
        %mul3A_900 = arith.mulf %neg3A_872, %gather3A_851 : vector<16xf32>
        %sub3A_901 = arith.subf %sub3A_899, %mul3A_900 : vector<16xf32>
        %mul3A_902 = arith.mulf %neg3A_875, %gather3A_854 : vector<16xf32>
        %sub3A_903 = arith.subf %sub3A_901, %mul3A_902 : vector<16xf32>
        %mul3A_904 = arith.mulf %sub3A_882, %sub3A_882 : vector<16xf32>
        %mul3A_905 = arith.mulf %add3A_889, %add3A_889 : vector<16xf32>
        %add3A_906 = arith.addf %mul3A_904, %mul3A_905 : vector<16xf32>
        %mul3A_907 = arith.mulf %add3A_896, %add3A_896 : vector<16xf32>
        %add3A_908 = arith.addf %add3A_906, %mul3A_907 : vector<16xf32>
        %add3A_909 = arith.constant 1.000000e-30 : f32
        %add3A_910 = vector.broadcast %add3A_909 : f32 to vector<16xf32>
        %add3A_911 = arith.addf %add3A_908, %add3A_910 : vector<16xf32>
        %bitcast3A_912 = vector.bitcast %add3A_911 : vector<16xf32> to vector<16xi32>
        %shift_right_logical3A_913 = arith.constant 1 : i32
        %shift_right_logical3A_914 = vector.broadcast %shift_right_logical3A_913 : i32 to vector<16xi32>
        %shift_right_logical3A_915 = arith.shrui %bitcast3A_912, %shift_right_logical3A_914 : vector<16xi32>
        %sub3A_916 = arith.constant 1597463007 : i32
        %sub3A_917 = vector.broadcast %sub3A_916 : i32 to vector<16xi32>
        %sub3A_918 = arith.subi %sub3A_917, %shift_right_logical3A_915 : vector<16xi32>
        %bitcast3A_919 = vector.bitcast %sub3A_918 : vector<16xi32> to vector<16xf32>
        %mul3A_920 = arith.constant 5.000000e-01 : f32
        %mul3A_921 = vector.broadcast %mul3A_920 : f32 to vector<16xf32>
        %mul3A_922 = arith.mulf %mul3A_921, %add3A_911 : vector<16xf32>
        %mul3A_923 = arith.mulf %mul3A_922, %bitcast3A_919 : vector<16xf32>
        %mul3A_924 = arith.mulf %mul3A_923, %bitcast3A_919 : vector<16xf32>
        %sub3A_925 = arith.constant 1.500000e+00 : f32
        %sub3A_926 = vector.broadcast %sub3A_925 : f32 to vector<16xf32>
        %sub3A_927 = arith.subf %sub3A_926, %mul3A_924 : vector<16xf32>
        %mul3A_928 = arith.mulf %bitcast3A_919, %sub3A_927 : vector<16xf32>
        %mul3A_929 = arith.constant 5.000000e-01 : f32
        %mul3A_930 = vector.broadcast %mul3A_929 : f32 to vector<16xf32>
        %mul3A_931 = arith.mulf %mul3A_930, %add3A_911 : vector<16xf32>
        %mul3A_932 = arith.mulf %mul3A_931, %mul3A_928 : vector<16xf32>
        %mul3A_933 = arith.mulf %mul3A_932, %mul3A_928 : vector<16xf32>
        %sub3A_934 = arith.constant 1.500000e+00 : f32
        %sub3A_935 = vector.broadcast %sub3A_934 : f32 to vector<16xf32>
        %sub3A_936 = arith.subf %sub3A_935, %mul3A_933 : vector<16xf32>
        %mul3A_937 = arith.mulf %mul3A_928, %sub3A_936 : vector<16xf32>
        %mul3A_938 = arith.mulf %add3A_911, %mul3A_937 : vector<16xf32>
        %abs3A_939 = math.absf %sub3A_903 : vector<16xf32>
        %min3A_940 = arith.minimumf %mul3A_938, %abs3A_939 : vector<16xf32>
        %max3A_941 = arith.maximumf %mul3A_938, %abs3A_939 : vector<16xf32>
        %div3A_942 = arith.divf %min3A_940, %max3A_941 : vector<16xf32>
        %mul3A_943 = arith.mulf %div3A_942, %div3A_942 : vector<16xf32>
        %broadcast_in_dim3A_944 = arith.constant -0.00461080391 : f32
        %broadcast_in_dim3A_945 = vector.broadcast %broadcast_in_dim3A_944 : f32 to vector<16xf32>
        %mul3A_946 = arith.mulf %broadcast_in_dim3A_945, %mul3A_943 : vector<16xf32>
        %add3A_947 = arith.constant 0.0238683745 : f32
        %add3A_948 = vector.broadcast %add3A_947 : f32 to vector<16xf32>
        %add3A_949 = arith.addf %mul3A_946, %add3A_948 : vector<16xf32>
        %mul3A_950 = arith.mulf %add3A_949, %mul3A_943 : vector<16xf32>
        %add3A_951 = arith.constant -0.0588004515 : f32
        %add3A_952 = vector.broadcast %add3A_951 : f32 to vector<16xf32>
        %add3A_953 = arith.addf %mul3A_950, %add3A_952 : vector<16xf32>
        %mul3A_954 = arith.mulf %add3A_953, %mul3A_943 : vector<16xf32>
        %add3A_955 = arith.constant 0.0985383391 : f32
        %add3A_956 = vector.broadcast %add3A_955 : f32 to vector<16xf32>
        %add3A_957 = arith.addf %mul3A_954, %add3A_956 : vector<16xf32>
        %mul3A_958 = arith.mulf %add3A_957, %mul3A_943 : vector<16xf32>
        %add3A_959 = arith.constant -0.139917061 : f32
        %add3A_960 = vector.broadcast %add3A_959 : f32 to vector<16xf32>
        %add3A_961 = arith.addf %mul3A_958, %add3A_960 : vector<16xf32>
        %mul3A_962 = arith.mulf %add3A_961, %mul3A_943 : vector<16xf32>
        %add3A_963 = arith.constant 0.199633554 : f32
        %add3A_964 = vector.broadcast %add3A_963 : f32 to vector<16xf32>
        %add3A_965 = arith.addf %mul3A_962, %add3A_964 : vector<16xf32>
        %mul3A_966 = arith.mulf %add3A_965, %mul3A_943 : vector<16xf32>
        %add3A_967 = arith.constant -0.333313704 : f32
        %add3A_968 = vector.broadcast %add3A_967 : f32 to vector<16xf32>
        %add3A_969 = arith.addf %mul3A_966, %add3A_968 : vector<16xf32>
        %mul3A_970 = arith.mulf %add3A_969, %mul3A_943 : vector<16xf32>
        %add3A_971 = arith.constant 0.999999761 : f32
        %add3A_972 = vector.broadcast %add3A_971 : f32 to vector<16xf32>
        %add3A_973 = arith.addf %mul3A_970, %add3A_972 : vector<16xf32>
        %mul3A_974 = arith.mulf %div3A_942, %add3A_973 : vector<16xf32>
        %gt3A_975 = arith.cmpf ogt, %mul3A_938, %abs3A_939 : vector<16xf32>
        %sub3A_976 = arith.constant 1.57079637 : f32
        %sub3A_977 = vector.broadcast %sub3A_976 : f32 to vector<16xf32>
        %sub3A_978 = arith.subf %sub3A_977, %mul3A_974 : vector<16xf32>
        %select_n3A_979 = arith.select %gt3A_975, %sub3A_978, %mul3A_974 : vector<16xi1>, vector<16xf32>
        %lt3A_980 = arith.constant 0.000000e+00 : f32
        %lt3A_981 = vector.broadcast %lt3A_980 : f32 to vector<16xf32>
        %lt3A_982 = arith.cmpf olt, %sub3A_903, %lt3A_981 : vector<16xf32>
        %sub3A_983 = arith.constant 3.14159274 : f32
        %sub3A_984 = vector.broadcast %sub3A_983 : f32 to vector<16xf32>
        %sub3A_985 = arith.subf %sub3A_984, %select_n3A_979 : vector<16xf32>
        %select_n3A_986 = arith.select %lt3A_982, %sub3A_985, %select_n3A_979 : vector<16xi1>, vector<16xf32>
        %mul3A_987 = arith.constant 2.000000e+00 : f32
        %mul3A_988 = vector.broadcast %mul3A_987 : f32 to vector<16xf32>
        %mul3A_989 = arith.mulf %mul3A_988, %select_n3A_986 : vector<16xf32>
        %mul3A_990 = arith.mulf %mul3A_989, %mul3A_937 : vector<16xf32>
        %mul3A_991 = arith.mulf %get3A_815, %mul3A_990 : vector<16xf32>
        %mul3A_992 = arith.mulf %sub3A_882, %mul3A_991 : vector<16xf32>
        %mul3A_993 = arith.mulf %add3A_889, %mul3A_991 : vector<16xf32>
        %mul3A_994 = arith.mulf %add3A_896, %mul3A_991 : vector<16xf32>
        %mul3A_995 = arith.mulf %get3A_815, %mul3A_989 : vector<16xf32>
        %mul3A_996 = arith.constant 5.000000e-01 : f32
        %mul3A_997 = vector.broadcast %mul3A_996 : f32 to vector<16xf32>
        %mul3A_998 = arith.mulf %mul3A_997, %mul3A_995 : vector<16xf32>
        %mul3A_999 = arith.mulf %mul3A_998, %mul3A_998 : vector<16xf32>
        %broadcast_in_dim3A_1000 = arith.constant -2.06959694E-8 : f32
        %broadcast_in_dim3A_1001 = vector.broadcast %broadcast_in_dim3A_1000 : f32 to vector<16xf32>
        %mul3A_1002 = arith.mulf %broadcast_in_dim3A_1001, %mul3A_999 : vector<16xf32>
        %add3A_1003 = arith.constant 2.70832606E-6 : f32
        %add3A_1004 = vector.broadcast %add3A_1003 : f32 to vector<16xf32>
        %add3A_1005 = arith.addf %mul3A_1002, %add3A_1004 : vector<16xf32>
        %mul3A_1006 = arith.mulf %add3A_1005, %mul3A_999 : vector<16xf32>
        %add3A_1007 = arith.constant -1.98166919E-4 : f32
        %add3A_1008 = vector.broadcast %add3A_1007 : f32 to vector<16xf32>
        %add3A_1009 = arith.addf %mul3A_1006, %add3A_1008 : vector<16xf32>
        %mul3A_1010 = arith.mulf %add3A_1009, %mul3A_999 : vector<16xf32>
        %add3A_1011 = arith.constant 0.00833273213 : f32
        %add3A_1012 = vector.broadcast %add3A_1011 : f32 to vector<16xf32>
        %add3A_1013 = arith.addf %mul3A_1010, %add3A_1012 : vector<16xf32>
        %mul3A_1014 = arith.mulf %add3A_1013, %mul3A_999 : vector<16xf32>
        %add3A_1015 = arith.constant -0.166666076 : f32
        %add3A_1016 = vector.broadcast %add3A_1015 : f32 to vector<16xf32>
        %add3A_1017 = arith.addf %mul3A_1014, %add3A_1016 : vector<16xf32>
        %mul3A_1018 = arith.mulf %add3A_1017, %mul3A_999 : vector<16xf32>
        %add3A_1019 = arith.constant 0.99999988 : f32
        %add3A_1020 = vector.broadcast %add3A_1019 : f32 to vector<16xf32>
        %add3A_1021 = arith.addf %mul3A_1018, %add3A_1020 : vector<16xf32>
        %mul3A_1022 = arith.constant 5.000000e-01 : f32
        %mul3A_1023 = vector.broadcast %mul3A_1022 : f32 to vector<16xf32>
        %mul3A_1024 = arith.mulf %mul3A_1023, %add3A_1021 : vector<16xf32>
        %broadcast_in_dim3A_1025 = arith.constant 1.7243752E-9 : f32
        %broadcast_in_dim3A_1026 = vector.broadcast %broadcast_in_dim3A_1025 : f32 to vector<16xf32>
        %mul3A_1027 = arith.mulf %broadcast_in_dim3A_1026, %mul3A_999 : vector<16xf32>
        %add3A_1028 = arith.constant -2.70754498E-7 : f32
        %add3A_1029 = vector.broadcast %add3A_1028 : f32 to vector<16xf32>
        %add3A_1030 = arith.addf %mul3A_1027, %add3A_1029 : vector<16xf32>
        %mul3A_1031 = arith.mulf %add3A_1030, %mul3A_999 : vector<16xf32>
        %add3A_1032 = arith.constant 2.47690532E-5 : f32
        %add3A_1033 = vector.broadcast %add3A_1032 : f32 to vector<16xf32>
        %add3A_1034 = arith.addf %mul3A_1031, %add3A_1033 : vector<16xf32>
        %mul3A_1035 = arith.mulf %add3A_1034, %mul3A_999 : vector<16xf32>
        %add3A_1036 = arith.constant -0.00138877321 : f32
        %add3A_1037 = vector.broadcast %add3A_1036 : f32 to vector<16xf32>
        %add3A_1038 = arith.addf %mul3A_1035, %add3A_1037 : vector<16xf32>
        %mul3A_1039 = arith.mulf %add3A_1038, %mul3A_999 : vector<16xf32>
        %add3A_1040 = arith.constant 0.041666463 : f32
        %add3A_1041 = vector.broadcast %add3A_1040 : f32 to vector<16xf32>
        %add3A_1042 = arith.addf %mul3A_1039, %add3A_1041 : vector<16xf32>
        %mul3A_1043 = arith.mulf %add3A_1042, %mul3A_999 : vector<16xf32>
        %add3A_1044 = arith.constant -0.499999851 : f32
        %add3A_1045 = vector.broadcast %add3A_1044 : f32 to vector<16xf32>
        %add3A_1046 = arith.addf %mul3A_1043, %add3A_1045 : vector<16xf32>
        %mul3A_1047 = arith.mulf %add3A_1046, %mul3A_999 : vector<16xf32>
        %add3A_1048 = arith.constant 1.000000e+00 : f32
        %add3A_1049 = vector.broadcast %add3A_1048 : f32 to vector<16xf32>
        %add3A_1050 = arith.addf %mul3A_1047, %add3A_1049 : vector<16xf32>
        %mul3A_1051 = arith.mulf %mul3A_992, %mul3A_1024 : vector<16xf32>
        %mul3A_1052 = arith.mulf %mul3A_993, %mul3A_1024 : vector<16xf32>
        %mul3A_1053 = arith.mulf %mul3A_994, %mul3A_1024 : vector<16xf32>
        %mul3A_1054 = arith.mulf %gather3A_836, %mul3A_1051 : vector<16xf32>
        %mul3A_1055 = arith.mulf %gather3A_827, %add3A_1050 : vector<16xf32>
        %add3A_1056 = arith.addf %mul3A_1054, %mul3A_1055 : vector<16xf32>
        %mul3A_1057 = arith.mulf %gather3A_830, %mul3A_1053 : vector<16xf32>
        %add3A_1058 = arith.addf %add3A_1056, %mul3A_1057 : vector<16xf32>
        %mul3A_1059 = arith.mulf %gather3A_833, %mul3A_1052 : vector<16xf32>
        %sub3A_1060 = arith.subf %add3A_1058, %mul3A_1059 : vector<16xf32>
        %mul3A_1061 = arith.mulf %gather3A_836, %mul3A_1052 : vector<16xf32>
        %mul3A_1062 = arith.mulf %gather3A_827, %mul3A_1053 : vector<16xf32>
        %sub3A_1063 = arith.subf %mul3A_1061, %mul3A_1062 : vector<16xf32>
        %mul3A_1064 = arith.mulf %gather3A_830, %add3A_1050 : vector<16xf32>
        %add3A_1065 = arith.addf %sub3A_1063, %mul3A_1064 : vector<16xf32>
        %mul3A_1066 = arith.mulf %gather3A_833, %mul3A_1051 : vector<16xf32>
        %add3A_1067 = arith.addf %add3A_1065, %mul3A_1066 : vector<16xf32>
        %mul3A_1068 = arith.mulf %gather3A_836, %mul3A_1053 : vector<16xf32>
        %mul3A_1069 = arith.mulf %gather3A_827, %mul3A_1052 : vector<16xf32>
        %add3A_1070 = arith.addf %mul3A_1068, %mul3A_1069 : vector<16xf32>
        %mul3A_1071 = arith.mulf %gather3A_830, %mul3A_1051 : vector<16xf32>
        %sub3A_1072 = arith.subf %add3A_1070, %mul3A_1071 : vector<16xf32>
        %mul3A_1073 = arith.mulf %gather3A_833, %add3A_1050 : vector<16xf32>
        %add3A_1074 = arith.addf %sub3A_1072, %mul3A_1073 : vector<16xf32>
        %mul3A_1075 = arith.mulf %gather3A_836, %add3A_1050 : vector<16xf32>
        %mul3A_1076 = arith.mulf %gather3A_827, %mul3A_1051 : vector<16xf32>
        %sub3A_1077 = arith.subf %mul3A_1075, %mul3A_1076 : vector<16xf32>
        %mul3A_1078 = arith.mulf %gather3A_830, %mul3A_1052 : vector<16xf32>
        %sub3A_1079 = arith.subf %sub3A_1077, %mul3A_1078 : vector<16xf32>
        %mul3A_1080 = arith.mulf %gather3A_833, %mul3A_1053 : vector<16xf32>
        %sub3A_1081 = arith.subf %sub3A_1079, %mul3A_1080 : vector<16xf32>
        %broadcast_in_dim3A_1082 = arith.constant 0 : i32
        %broadcast_in_dim3A_1083 = vector.broadcast %broadcast_in_dim3A_1082 : i32 to vector<16xi32>
        tpu.vector_store_idx %arg11[%add3A_813, %broadcast_in_dim3A_1083], %add3A_860 : memref<2048x7xf32, #tpu.memory_space<vmem>>[vector<16xi32>, vector<16xi32>], vector<16xf32>,
        %broadcast_in_dim3A_1084 = arith.constant 1 : i32
        %broadcast_in_dim3A_1085 = vector.broadcast %broadcast_in_dim3A_1084 : i32 to vector<16xi32>
        tpu.vector_store_idx %arg11[%add3A_813, %broadcast_in_dim3A_1085], %add3A_863 : memref<2048x7xf32, #tpu.memory_space<vmem>>[vector<16xi32>, vector<16xi32>], vector<16xf32>,
        %broadcast_in_dim3A_1086 = arith.constant 2 : i32
        %broadcast_in_dim3A_1087 = vector.broadcast %broadcast_in_dim3A_1086 : i32 to vector<16xi32>
        tpu.vector_store_idx %arg11[%add3A_813, %broadcast_in_dim3A_1087], %add3A_866 : memref<2048x7xf32, #tpu.memory_space<vmem>>[vector<16xi32>, vector<16xi32>], vector<16xf32>,
        %broadcast_in_dim3A_1088 = arith.constant 3 : i32
        %broadcast_in_dim3A_1089 = vector.broadcast %broadcast_in_dim3A_1088 : i32 to vector<16xi32>
        tpu.vector_store_idx %arg11[%add3A_813, %broadcast_in_dim3A_1089], %sub3A_1060 : memref<2048x7xf32, #tpu.memory_space<vmem>>[vector<16xi32>, vector<16xi32>], vector<16xf32>,
        %broadcast_in_dim3A_1090 = arith.constant 4 : i32
        %broadcast_in_dim3A_1091 = vector.broadcast %broadcast_in_dim3A_1090 : i32 to vector<16xi32>
        tpu.vector_store_idx %arg11[%add3A_813, %broadcast_in_dim3A_1091], %add3A_1067 : memref<2048x7xf32, #tpu.memory_space<vmem>>[vector<16xi32>, vector<16xi32>], vector<16xf32>,
        %broadcast_in_dim3A_1092 = arith.constant 5 : i32
        %broadcast_in_dim3A_1093 = vector.broadcast %broadcast_in_dim3A_1092 : i32 to vector<16xi32>
        tpu.vector_store_idx %arg11[%add3A_813, %broadcast_in_dim3A_1093], %add3A_1074 : memref<2048x7xf32, #tpu.memory_space<vmem>>[vector<16xi32>, vector<16xi32>], vector<16xf32>,
        %broadcast_in_dim3A_1094 = arith.constant 6 : i32
        %broadcast_in_dim3A_1095 = vector.broadcast %broadcast_in_dim3A_1094 : i32 to vector<16xi32>
        tpu.vector_store_idx %arg11[%add3A_813, %broadcast_in_dim3A_1095], %sub3A_1081 : memref<2048x7xf32, #tpu.memory_space<vmem>>[vector<16xi32>, vector<16xi32>], vector<16xf32>,
      }
      %scan3A_533 = arith.constant 64 : i32
      "tpu.region"() ({
        %run_scoped3A = tpu.sem_alloc : memref<!tpu.dma_semaphore, #tpu.memory_space<semaphore_mem>>
        %dma_start3A_534 = arith.constant 0 : i32
        %dma_start3A_535 = tpu.memref_slice %arg4[%add3A_11, %dma_start3A_534] : memref<2097152x7xf32, #tpu.memory_space<hbm>> -> memref<2048x7xf32, #tpu.memory_space<hbm>>
        %dma_start3A_536 = arith.constant 0 : i32
        %dma_start3A_537 = tpu.memref_slice %arg4[%add3A_11, %dma_start3A_536] : memref<2097152x7xf32, #tpu.memory_space<hbm>> -> memref<2048x7xf32, #tpu.memory_space<hbm>>
        tpu.enqueue_dma source(%arg11 : memref<2048x7xf32, #tpu.memory_space<vmem>>) target(%dma_start3A_537 : memref<2048x7xf32, #tpu.memory_space<hbm>>) target_semaphore(%run_scoped3A : memref<!tpu.dma_semaphore, #tpu.memory_space<semaphore_mem>>)
        %dma_wait3A_538 = arith.constant 0 : i32
        %dma_wait3A_539 = tpu.memref_slice %arg4[%add3A_11, %dma_wait3A_538] : memref<2097152x7xf32, #tpu.memory_space<hbm>> -> memref<2048x7xf32, #tpu.memory_space<hbm>>
        %dma_wait3A_540 = arith.constant 0 : i32
        %dma_wait3A_541 = tpu.memref_slice %arg4[%add3A_11, %dma_wait3A_540] : memref<2097152x7xf32, #tpu.memory_space<hbm>> -> memref<2048x7xf32, #tpu.memory_space<hbm>>
        tpu.wait_dma2 semaphore(%run_scoped3A : memref<!tpu.dma_semaphore, #tpu.memory_space<semaphore_mem>>) src(%arg11 : memref<2048x7xf32, #tpu.memory_space<vmem>>) dst(%dma_wait3A_541 : memref<2048x7xf32, #tpu.memory_space<hbm>>)
        tpu.yield
      }) : () -> ()
    }
    %scan3A_7 = arith.constant 32 : i32
    return
  }
}

</mosaic_0001>

<sc_bundles>
// kernel: kernel.3.cloned.1.call-start
scs
__scs_entry_jumppad:
0x0: {  	(pc) =	sbr.rel $0x88, $3  }
0x1: {  	(tag) =	ssettag $0x0;
	lr =	simm.s32 $0x1  }
0x2: {  	[smem:$0x3F9F] =	sst lr;
	_ =	strace $0xD0000000  }
0x3: {  	_ = 	snop  }
0x4: {  	_ = 	snop  }
0x5: {  	_ = 	snop  }
0x6: {  	_ = 	snop  }
0x7: {  	_ = 	snop  }
__scs_overlays_trampoline_lowered:
0x8: {  	[smem:$0x3FAE] =	sst s0  }
0x9: {  	[smem:$0x3FAF] =	sst s1  }
0xa: {  	[smem:$0x3FB0] =	sst s2  }
0xb: {  	[smem:$0x3FB1] =	sst s3  }
0xc: {  	[smem:$0x3FB2] =	sst s4  }
0xd: {  	[smem:$0x3FB3] =	sst s5  }
0xe: {  	[smem:$0x3FB4] =	sst s6  }
0xf: {  	[smem:$0x3FB5] =	sst s7  }
0x10: {  	[smem:$0x3FB6] =	sst s8  }
0x11: {  	[smem:$0x3FB7] =	sst s9;
	s0 =	simm.s32 @!p0 $0x0  }
0x12: {  	s1 =	sld [smem:$0x3F9D];
	s0 =	simm.s32 @p0 $0x1  }
0x13: {  	[smem:$0x3FB8] =	sst s0;
	s0 =	simm.s32 @!p1 $0x0  }
0x14: {  	s2 =	sld [smem:$0x3F9C];
	s0 =	simm.s32 @p1 $0x1  }
0x15: {  	[smem:$0x3FB9] =	sst s0;
	s0 =	simm.s32 @!p2 $0x0  }
0x16: {  	s3 =	sld [smem:$0x3FDB];
	s0 =	simm.s32 @p2 $0x1  }
0x17: {  	s4 =	simm.s32 $0x1BF5;
	[smem:$0x3FBB] =	sst s0  }
0x18: {  	s0 =	sld [smem:$0x3F9E];
	_ =	swait.ge [sflag:s4], $0x0  }
0x19: {  	s7 =	sld [smem:$0x3F9F]  }
0x1a: {  	s8 =	sadd.s32 $0xFFFFE003, lr  }
0x1b: {  	s9 =	sadd.s32 $0xFFFFFEF7, lr;
	s5 =	simm.s32 $0xFFFFFFFF;
	p2 =	slt.u32 s8, $0xFFFFF086  }
0x1c: {  	p1 =	slt.u32 s9, $0xF7A;
	s5 =	simm.s32 @!p2 $0x0  }
0x1d: {  	s5 =	simm.s32 @p1 $0x1;
	p0 =	seq.s32 s7, s2  }
0x1e: {  	s7 =	smul.u32 @!p0 $0xF7A, s2;
	p2 =	seq.s32 @!p0 s5, $0x0  }
0x1f: {  	s9 =	smul.u32 $0xF7A, s1;
	s8 =	simm.s32 @!p0 $0x1BF5;
	p2 =	por !p2, p0  }
0x20: {  	[sflag:s8] =	ssyncset.s32 @!p0 $0xFFFFF086;
	s6 =	sadd.s32 @!p0 s3, s7;
	s7 =	simm.s32 @!p0 $0x108  }
0x21: {  	s3 =	sadd.s32 s3, s9;
	s6 =	sadd.s32 @!p0 $0x88, s6;
	s7 =	simm.s32 @p2 $0x1082  }
0x22: {  	[simem:s7], [sflag:s8] =	dma.local @!p0 [hbm:s6], $0xF7A  }
0x23: {  	s9 =	sor.u32 $0xD0000000, s2;
	s6 =	simm.s32 $0x108;
	_ =	swait.ge @!p0 [sflag:s8], $0x0  }
0x24: {  	s3 =	sadd.s32 $0x88, s3;
	s6 =	simm.s32 @!p1 $0x1082;
	[sflag:s4] =	ssyncset.s32 $0xFFFFF086  }
0x25: {  	[simem:s6], [sflag:s4] =	dma.local [hbm:s3], $0xF7A  }
0x26: {  	[smem:$0x3F9F] =	sst s1;
	(tag) =	ssettag s2;
	_ =	strace s9  }
0x27: {  	s1 =	sld [smem:$0x3FAF]  }
0x28: {  	s2 =	sld [smem:$0x3FB0]  }
0x29: {  	s4 =	sld [smem:$0x3FB2]  }
0x2a: {  	p0 =	seq.s32 s5, $0x0;
	s5 =	sld [smem:$0x3FB3]  }
0x2b: {  	s6 =	sld [smem:$0x3FB4]  }
0x2c: {  	s7 =	sld [smem:$0x3FB5]  }
0x2d: {  	s3 =	simm.s32 $0x108;
	s8 =	sld [smem:$0x3FB6]  }
0x2e: {  	s3 =	simm.s32 @!p0 $0x1082;
	s9 =	sld [smem:$0x3FB7]  }
0x2f: {  	lr =	sadd.s32 s0, s3;
	s0 =	sld [smem:$0x3FAE]  }
0x30: {  	s3 =	sld [smem:$0x3FB1]  }
0x31: {  	[smem:$0x3FBA] =	sst s10  }
0x32: {  	s10 =	sld [smem:$0x3FB8];
	_ =	sdelay $0x3  }
0x33: {  	p0 =	seq.s32 s10, $0x1;
	s10 =	sld [smem:$0x3FBA];
	_ =	sdelay $0x3  }
0x34: {  	[smem:$0x3FBA] =	sst s10  }
0x35: {  	s10 =	sld [smem:$0x3FB9];
	_ =	sdelay $0x3  }
0x36: {  	p1 =	seq.s32 s10, $0x1;
	s10 =	sld [smem:$0x3FBA];
	_ =	sdelay $0x3  }
0x37: {  	[smem:$0x3FBA] =	sst s10  }
0x38: {  	s10 =	sld [smem:$0x3FBB]  }
0x39: {  	_ = 	snop;
	(pc) =	sbr.ind lr, $3  }
0x3a: {  	_ = 	snop  }
0x3b: {  	_ = 	snop  }
0x3c: {  	p2 =	seq.s32 s10, $0x1;
	s10 =	sld [smem:$0x3FBA]  }
0x3d: {  	_ =	shalt  }
0x3e: {  	_ =	shalt  }
0x3f: {  	_ =	shalt  }
0x40: {  	_ =	shalt  }
0x41: {  	_ =	shalt  }
0x42: {  	_ =	shalt  }
0x43: {  	_ =	shalt  }
0x44: {  	_ =	shalt  }
0x45: {  	_ =	shalt  }
0x46: {  	_ =	shalt  }
0x47: {  	_ =	shalt  }
0x48: {  	_ =	shalt  }
0x49: {  	_ =	shalt  }
0x4a: {  	_ =	shalt  }
0x4b: {  	_ =	shalt  }
0x4c: {  	_ =	shalt  }
0x4d: {  	_ =	shalt  }
0x4e: {  	_ =	shalt  }
0x4f: {  	_ =	shalt  }
0x50: {  	_ =	shalt  }
0x51: {  	_ =	shalt  }
0x52: {  	_ =	shalt  }
0x53: {  	_ =	shalt  }
0x54: {  	_ =	shalt  }
0x55: {  	_ =	shalt  }
0x56: {  	_ =	shalt  }
0x57: {  	_ =	shalt  }
0x58: {  	_ =	shalt  }
0x59: {  	_ =	shalt  }
0x5a: {  	_ =	shalt  }
0x5b: {  	_ =	shalt  }
0x5c: {  	_ =	shalt  }
0x5d: {  	_ =	shalt  }
0x5e: {  	_ =	shalt  }
0x5f: {  	_ =	shalt  }
0x60: {  	_ =	shalt  }
0x61: {  	_ =	shalt  }
0x62: {  	_ =	shalt  }
0x63: {  	_ =	shalt  }
0x64: {  	_ =	shalt  }
0x65: {  	_ =	shalt  }
0x66: {  	_ =	shalt  }
0x67: {  	_ =	shalt  }
0x68: {  	_ =	shalt  }
0x69: {  	_ =	shalt  }
0x6a: {  	_ =	shalt  }
0x6b: {  	_ =	shalt  }
0x6c: {  	_ =	shalt  }
0x6d: {  	_ =	shalt  }
0x6e: {  	_ =	shalt  }
0x6f: {  	_ =	shalt  }
0x70: {  	_ =	shalt  }
0x71: {  	_ =	shalt  }
0x72: {  	_ =	shalt  }
0x73: {  	_ =	shalt  }
0x74: {  	_ =	shalt  }
0x75: {  	_ =	shalt  }
0x76: {  	_ =	shalt  }
0x77: {  	_ =	shalt  }
0x78: {  	_ =	shalt  }
0x79: {  	_ =	shalt  }
0x7a: {  	_ =	shalt  }
0x7b: {  	_ =	shalt  }
0x7c: {  	_ =	shalt  }
0x7d: {  	_ =	shalt  }
0x7e: {  	_ =	shalt  }
0x7f: {  	_ =	shalt  }
0x80: {  	_ =	shalt  }
0x81: {  	_ =	shalt  }
0x82: {  	_ =	shalt  }
0x83: {  	_ =	shalt  }
0x84: {  	_ =	shalt  }
0x85: {  	_ =	shalt  }
0x86: {  	_ =	shalt  }
0x87: {  	_ =	shalt  }
.Lfunc_end0:
.L_simem_size_0:
called_computation.1_lowered:
.L_overlay_start_0:
0x88: {  	s2 =	sld [smem:$0x3FD9]  }
0x89: {  	s3 =	sld [smem:$0x3FFE];
	_ =	sdelay $0x1  }
0x8a: {  	s1 =	srdreg.scid  }
0x8b: {  	s0 =	sand.u32 $0x1, s1  }
0x8c: {  	s17 =	sshll.u32 s0, $0xA;
	s2 =	sadd.s32 s3, s2  }
0x8d: {  	s2 =	sadd.s32 s2, s17  }
0x8e: {  	[smem:$0x3FC6] =	sst s2  }
0x8f: {  	_ = 	snop  }
0x90: {  	s2 =	sld [smem:$0x3FC9]  }
0x91: {  	s18 =	sld [smem:$0x3FD0];
	(tm) =	ssettm $0x1  }
0x92: {  	s4 =	sld [smem:$0x3FFB];
	_ =	sdelay $0x3  }
0x93: {  	_ =	strace s4  }
0x94: {  	s4 =	sld [smem:$0x3FFC];
	_ =	sdelay $0x3  }
0x95: {  	_ =	strace s4  }
0x96: {  	s4 =	sld [smem:$0x3FFD];
	_ =	sdelay $0x3  }
0x97: {  	_ =	strace s4  }
0x98: {  	_ =	strace $0x8FFFFFFF  }
0x99: {  	s19 =	sld [smem:$0x3FDB];
	_ =	sdelay $0x1  }
0x9a: {  	s5 =	simm.s32 $_scs_section_size  }
0x9b: {  	s6 =	simm.s32 $_size__tile_overlayer_lowered;
	s7 =	simm.s32 $_tile_overlayer_lowered  }
0x9c: {  	s22 =	simm.s32 $0x1BFF;
	s21 =	sshll.u32 s7, $0x1;
	s4 =	sadd.s32 s5, s19  }
0x9d: {  	s8 =	simm.s32 $0x0;
	s20 =	sshll.u32 s6, $0x1;
	s6 =	sadd.s32 s21, s4  }
0x9e: {  	[timem:s8], [sflag:s22] =	dma.local [hbm:s6], s20  }
0x9f: {  	_ =	swait.ge [sflag:s22], s20  }
0xa0: {  	s5 =	ssub.s32 $0x0, s20;
	[sflag:s22] =	ssyncset.done $0x0  }
0xa1: {  	[sflag:s22] =	ssyncadd.s32 s5;
	_ =	sdelay $0x1  }
0xa2: {  	s23 =	simm.s32 $0x1B8B  }
0xa3: {  	_ =	swait.ge [sflag:s23], $0x1  }
0xa4: {  	[sflag:s23] =	ssyncset.done $0x0  }
0xa5: {  	s25 =	simm.s32 $0x1B8E;
	s24 =	sld [smem:$0x3FFE];
	[sflag:s23] =	ssyncadd.s32 $0xFFFFFFFF  }
0xa6: {  	s26 =	simm.s32 $execute0_lowered;
	[smem:$0x3FD2] =	sst s25  }
0xa7: {  	s6 =	sshll.u32 s26, $0x1;
	_ =	strace $0x80000046;
	[dreg:$0x1] =	wrdreg $0xFFFFFFFF  }
0xa8: {  	s28 =	simm.s32 $_size_execute0_lowered;
	s4 =	sadd.s32 s4, s6;
	[dreg:$0x0] =	wrdreg $0x0  }
0xa9: {  	s6 =	sshll.u32 s28, $0x1;
	[dreg:$0x2] =	wrdreg s4  }
0xaa: {  	[dreg:$0x3] =	wrdreg s6  }
0xab: {  	[dreg:$0x4] =	wrdreg $0xC0  }
0xac: {  	_ =	task [dreg:s8], $0x5FFFF  }
0xad: {  	[dreg:$0x1] =	wrdreg $0xFFFFFFFF  }
0xae: {  	[dreg:$0x0] =	wrdreg $0x60  }
0xaf: {  	[dreg:$0x2] =	wrdreg s2  }
0xb0: {  	[dreg:$0x3] =	wrdreg s24  }
0xb1: {  	[dreg:$0x4] =	wrdreg s18  }
0xb2: {  	[dreg:$0x5] =	wrdreg $0x9  }
0xb3: {  	_ =	task.clear_ibuf [dreg:s8], $0x6FFFF;
	_ =	strace $0x90000046  }
0xb4: {  	s29 =	simm.s32 $0x9;
	_ =	strace $0x80000048  }
0xb5: {  	_ =	swait.ge [sflag:s29], $0x1  }
0xb6: {  	[sflag:s29] =	ssyncadd.s32 $0xFFFFFFFF  }
0xb7: {  	_ =	strace $0x90000048  }
0xb8: {  	_ =	sfence  }
0xb9: {  	s30 =	sld [smem:$0x0];
	_ =	sdelay $0x2  }
0xba: {  	s31 =	sshll.u32 s1, $0xD;
	s1 =	sshrl.u32 s1, $0x2  }
0xbb: {  	s3 =	sand.u32 $0x4000, s31;
	s1 =	sadd.s32 s1, s30  }
0xbc: {  	s0 =	sor.u32 s3, s0;
	s1 =	sshll.u32 s1, $0x11  }
0xbd: {  	s0 =	sor.u32 s1, s0  }
0xbe: {  	s0 =	sadd.s32 $0x8F2B, s0  }
0xbf: {  	[sflag:s0] =	ssyncadd.remote.s32 $0x1  }
0xc0: {  	_ =	sfence.sel $0xFFFF  }
0xc1: {  	[dreg:$0x0] =	wrdreg $0xFFFFFFFF;
	(pc) =	sbr.abs _section_cstart, $3  }
0xc2: {  	[dreg:$0x1] =	wrdreg $0xFFFFFFFF  }
0xc3: {  	_ =	task.clear_ibuf [dreg:s8], $0x2FFFF;
	_ =	strace $0x9FFFFFFF  }
0xc4: {  	(tm) =	ssettm $0x7FFFFFFF  }
0xc5: {  	_ =	shalt  }
tec
execute0_lowered:
.L_overlay_start_1:
0x0: {  	(tag) =	ssettag $0x1  }
0x1: {  	s0 =	rddreg [dreg:$0x1]  }
0x2: {  	s1 =	srdreg.scid;
	s2 =	simm.s32 $0x0;
	s4 =	stileid.u32  }
0x3: {  	s8 =	simm.s32 $0x2;
	s9 =	simm.s32 $0x80;
	[smem:$0x7FF] =	sst s2  }
0x4: {  	s11 =	simm.s32 $0x2000;
	s13 =	simm.s32 $0x6000;
	v0 =	vimm.f32 $9.999999740e-06;
	_ =	strace $0x80000047  }
0x5: {  	s7 =	simm.s32 $0xE00;
	s10 =	simm.s32 $0xE80;
	s12 =	simm.s32 $0x5400;
	(erf) = vrcp.f32 v0  }
0x6: {  	s14 =	simm.s32 $0x1680;
	s15 =	simm.s32 $0x9400;
	s16 =	simm.s32 $0xF00  }
0x7: {  	s17 =	simm.s32 $0x5800;
	s18 =	simm.s32 $0x1700;
	s19 =	simm.s32 $0x9800  }
0x8: {  	s20 =	simm.s32 $0xF80;
	s21 =	simm.s32 $0x5C00;
	s22 =	simm.s32 $0x1780  }
0x9: {  	s23 =	simm.s32 $0x9C00;
	s24 =	simm.s32 $0x1;
	s1 =	sand.u32 $0x1, s1  }
0xa: {  	s25 =	simm.s32 $0xA000;
	s26 =	simm.s32 $0x0;
	s29 =	ssub.s32 $0x2, s1  }
0xb: {  	s30 =	sshll.u32 s4, $0x11;
	s5 =	sadd.s32 $0x187400, s0;
	s3 =	sshrl.u32 s29, $0x1  }
0xc: {  	s4 =	simm.s32 $0x8C00;
	s1 =	sshll.u32 s1, $0x10;
	s2 =	ssub.s32 s29, s3  }
0xd: {  	v1 =	vlaneseq.u32;
	s6 =	sor.u32 s1, s30;
	s1 =	simm.s32 $0x5000;
	s31 =	smax.u32 s2, $0x1  }
0xe: {  	v1 =	vmul.u32 $0x8, v1;
	s3 =	simm.s32 $0x9000;
	s2 =	simm.s32 $0x1600;
	[dreg:$0x4] =	wrdreg s31;
	v0 =	vpop (erf)  }
.LBB2_1:
0xf: {  	[dreg:$0x5] =	wrdreg s26;
	s26 =	simm.s32 $0x0  }
.LBB2_2:
0x10: {  	s28 =	sshll.u32 s26, $0xB  }
0x11: {  	s28 =	sadd.s32 s6, s28  }
0x12: {  	s0 =	rddreg [dreg:$0x0];
	s29 =	sshrl.u32 s28, $0x3  }
0x13: {  	s30 =	simm.s32 $0x0;
	s29 =	sadd.s32 s0, s29  }
0x14: {  	[tilespmem:s30], [sflag:$0x2] =	stream.linear.gather [hbm4b:s29+s30], $0x800, $0x38;
	[tilespmem:$0xE000] =	vst v63  }
0x15: {  	_ =	swait.ge [sflag:s8], $0x800  }
0x16: {  	[sflag:s8] =	ssyncset.done $0x0  }
0x17: {  	s29 =	simm.s32 $0x0;
	[sflag:s8] =	ssyncadd.s32 $0xFFFFF800  }
0x18: {  	v2 =	vld [tilespmem:s29+$0x0];
	_ =	sdelay $0x4  }
0x19: {  	s30 =	simm.s32 $0x10;
	v2 =	vmax.f32 v2, $9.999999740e-05  }
0x1a: {  	v3 =	vld [tilespmem:s30+$0x0];
	v2 =	vmin.f32 v2, $9.998999830e-01  }
0x1b: {  	v2 =	vmul.f32 v2, v0;
	_ =	sdelay $0x1  }
0x1c: {  	v4 =	vtrunc.f32 v2  }
0x1d: {  	s31 =	simm.s32 $0x80;
	v4 =	vcvt.f32.s32 v4  }
.LBB2_3:
0x1e: {  	s0 =	sshra.s32 s31, $0x2;
	p0 =	sne.s32 s31, $0x1FC0;
	s31 =	sadd.s32 $0x40, s31;
	v5 =	vmax.f32 v3, $9.999999740e-05  }
.Ltmp0:
0x1f: {  	v3 =	vld [tilespmem:s0+$0x0];
	v5 =	vmin.f32 v5, $9.998999830e-01;
	v6 =	vcvt.s32.f32 v4;
	[tilespmem:s29+$0x800] =	vst v4;
	v4 =	vadd.s32 $0x1, v4;
	(pc) =	sbr.rel @p0 .LBB2_3-.Ltmp0, $4  }
0x20: {  	v5 =	vmul.f32 v5, v0;
	[tilespmem:s29+$0x1000] =	vst v4  }
0x21: {  	v6 =	vsub.f32 v2, v6  }
0x22: {  	v4 =	vtrunc.f32 v5;
	v2 =	vmov v5  }
0x23: {  	v4 =	vcvt.f32.s32 v4;
	[tilespmem:s29+$0x1800] =	vst v6;
	s29 =	smov.u32 s30;
	s30 =	smov.u32 s0  }
0x24: {  	v3 =	vmax.f32 v3, $9.999999740e-05  }
0x25: {  	v3 =	vmin.f32 v3, $9.998999830e-01  }
0x26: {  	v3 =	vmul.f32 v3, v0;
	_ =	sdelay $0x1  }
0x27: {  	v5 =	vcvt.s32.f32 v4;
	v6 =	vtrunc.f32 v3  }
0x28: {  	v6 =	vcvt.f32.s32 v6  }
0x29: {  	[tilespmem:s29+$0x800] =	vst v4;
	v62 =	vadd.s32 $0x1, v4;
	v2 =	vsub.f32 v2, v5  }
0x2a: {  	[tilespmem:s29+$0x1000] =	vst v62;
	v63 =	vcvt.s32.f32 v6  }
0x2b: {  	[tilespmem:s29+$0x1800] =	vst v2  }
0x2c: {  	[tilespmem:s30+$0x800] =	vst v6;
	v2 =	vadd.s32 $0x1, v6;
	v3 =	vsub.f32 v3, v63  }
0x2d: {  	[tilespmem:s30+$0x1000] =	vst v2  }
0x2e: {  	s0 =	simm.s32 $0x800;
	[tilespmem:s30+$0x1800] =	vst v3  }
0x2f: {  	[tilespmem:s11], [sflag:$0x1] =	stream.indirect.gather [hbm4b:s5+s9], $0x8, s0, s9, $0xb8;
	[tilespmem:$0xE000] =	vst v63  }
0x30: {  	s31 =	simm.s32 $0x1000  }
0x31: {  	[tilespmem:s13], [sflag:$0x1] =	stream.indirect.gather [hbm4b:s5+s9], $0x8, s31, s9, $0xb8;
	[tilespmem:$0xE000] =	vst v63  }
0x32: {  	s29 =	simm.s32 $0x2400;
	s31 =	simm.s32 $0x880  }
0x33: {  	[tilespmem:s29], [sflag:$0x1] =	stream.indirect.gather [hbm4b:s5+s9], $0x8, s31, s9, $0xb8;
	[tilespmem:$0xE000] =	vst v63  }
0x34: {  	s31 =	simm.s32 $0x1080;
	s29 =	simm.s32 $0x6400  }
0x35: {  	[tilespmem:s29], [sflag:$0x1] =	stream.indirect.gather [hbm4b:s5+s9], $0x8, s31, s9, $0xb8;
	[tilespmem:$0xE000] =	vst v63  }
0x36: {  	s31 =	simm.s32 $0x900;
	s29 =	simm.s32 $0x2800  }
0x37: {  	[tilespmem:s29], [sflag:$0x1] =	stream.indirect.gather [hbm4b:s5+s9], $0x8, s31, s9, $0xb8;
	[tilespmem:$0xE000] =	vst v63  }
0x38: {  	s31 =	simm.s32 $0x1100;
	s29 =	simm.s32 $0x6800  }
0x39: {  	[tilespmem:s29], [sflag:$0x1] =	stream.indirect.gather [hbm4b:s5+s9], $0x8, s31, s9, $0xb8;
	[tilespmem:$0xE000] =	vst v63  }
0x3a: {  	s31 =	simm.s32 $0x980;
	s29 =	simm.s32 $0x2C00  }
0x3b: {  	[tilespmem:s29], [sflag:$0x1] =	stream.indirect.gather [hbm4b:s5+s9], $0x8, s31, s9, $0xb8;
	[tilespmem:$0xE000] =	vst v63  }
0x3c: {  	s31 =	simm.s32 $0x1180;
	s29 =	simm.s32 $0x6C00  }
0x3d: {  	[tilespmem:s29], [sflag:$0x1] =	stream.indirect.gather [hbm4b:s5+s9], $0x8, s31, s9, $0xb8;
	[tilespmem:$0xE000] =	vst v63  }
0x3e: {  	s31 =	simm.s32 $0xA00;
	s29 =	simm.s32 $0x3000  }
0x3f: {  	[tilespmem:s29], [sflag:$0x1] =	stream.indirect.gather [hbm4b:s5+s9], $0x8, s31, s9, $0xb8;
	[tilespmem:$0xE000] =	vst v63  }
0x40: {  	s31 =	simm.s32 $0x1200;
	s29 =	simm.s32 $0x7000  }
0x41: {  	[tilespmem:s29], [sflag:$0x1] =	stream.indirect.gather [hbm4b:s5+s9], $0x8, s31, s9, $0xb8;
	[tilespmem:$0xE000] =	vst v63  }
0x42: {  	s31 =	simm.s32 $0xA80;
	s29 =	simm.s32 $0x3400  }
0x43: {  	[tilespmem:s29], [sflag:$0x1] =	stream.indirect.gather [hbm4b:s5+s9], $0x8, s31, s9, $0xb8;
	[tilespmem:$0xE000] =	vst v63  }
0x44: {  	s31 =	simm.s32 $0x1280;
	s29 =	simm.s32 $0x7400  }
0x45: {  	[tilespmem:s29], [sflag:$0x1] =	stream.indirect.gather [hbm4b:s5+s9], $0x8, s31, s9, $0xb8;
	[tilespmem:$0xE000] =	vst v63  }
0x46: {  	s31 =	simm.s32 $0xB00;
	s29 =	simm.s32 $0x3800  }
0x47: {  	[tilespmem:s29], [sflag:$0x1] =	stream.indirect.gather [hbm4b:s5+s9], $0x8, s31, s9, $0xb8;
	[tilespmem:$0xE000] =	vst v63  }
0x48: {  	s31 =	simm.s32 $0x1300;
	s29 =	simm.s32 $0x7800  }
0x49: {  	[tilespmem:s29], [sflag:$0x1] =	stream.indirect.gather [hbm4b:s5+s9], $0x8, s31, s9, $0xb8;
	[tilespmem:$0xE000] =	vst v63  }
0x4a: {  	s31 =	simm.s32 $0xB80;
	s29 =	simm.s32 $0x3C00  }
0x4b: {  	[tilespmem:s29], [sflag:$0x1] =	stream.indirect.gather [hbm4b:s5+s9], $0x8, s31, s9, $0xb8;
	[tilespmem:$0xE000] =	vst v63  }
0x4c: {  	s31 =	simm.s32 $0x1380;
	s29 =	simm.s32 $0x7C00  }
0x4d: {  	[tilespmem:s29], [sflag:$0x1] =	stream.indirect.gather [hbm4b:s5+s9], $0x8, s31, s9, $0xb8;
	[tilespmem:$0xE000] =	vst v63  }
0x4e: {  	s31 =	simm.s32 $0xC00;
	s29 =	simm.s32 $0x4000  }
0x4f: {  	[tilespmem:s29], [sflag:$0x1] =	stream.indirect.gather [hbm4b:s5+s9], $0x8, s31, s9, $0xb8;
	[tilespmem:$0xE000] =	vst v63  }
0x50: {  	s31 =	simm.s32 $0x1400;
	s29 =	simm.s32 $0x8000  }
0x51: {  	[tilespmem:s29], [sflag:$0x1] =	stream.indirect.gather [hbm4b:s5+s9], $0x8, s31, s9, $0xb8;
	[tilespmem:$0xE000] =	vst v63  }
0x52: {  	s31 =	simm.s32 $0xC80;
	s29 =	simm.s32 $0x4400  }
0x53: {  	[tilespmem:s29], [sflag:$0x1] =	stream.indirect.gather [hbm4b:s5+s9], $0x8, s31, s9, $0xb8;
	[tilespmem:$0xE000] =	vst v63  }
0x54: {  	s31 =	simm.s32 $0x1480;
	s29 =	simm.s32 $0x8400  }
0x55: {  	[tilespmem:s29], [sflag:$0x1] =	stream.indirect.gather [hbm4b:s5+s9], $0x8, s31, s9, $0xb8;
	[tilespmem:$0xE000] =	vst v63  }
0x56: {  	s31 =	simm.s32 $0xD00;
	s29 =	simm.s32 $0x4800  }
0x57: {  	[tilespmem:s29], [sflag:$0x1] =	stream.indirect.gather [hbm4b:s5+s9], $0x8, s31, s9, $0xb8;
	[tilespmem:$0xE000] =	vst v63  }
0x58: {  	s31 =	simm.s32 $0x1500;
	s29 =	simm.s32 $0x8800  }
0x59: {  	[tilespmem:s29], [sflag:$0x1] =	stream.indirect.gather [hbm4b:s5+s9], $0x8, s31, s9, $0xb8;
	[tilespmem:$0xE000] =	vst v63  }
0x5a: {  	s31 =	simm.s32 $0xD80;
	s29 =	simm.s32 $0x4C00  }
0x5b: {  	[tilespmem:s29], [sflag:$0x1] =	stream.indirect.gather [hbm4b:s5+s9], $0x8, s31, s9, $0xb8;
	[tilespmem:$0xE000] =	vst v63  }
0x5c: {  	s31 =	simm.s32 $0x1580  }
0x5d: {  	[tilespmem:s4], [sflag:$0x1] =	stream.indirect.gather [hbm4b:s5+s9], $0x8, s31, s9, $0xb8;
	[tilespmem:$0xE000] =	vst v63  }
0x5e: {  	_ = 	snop  }
0x5f: {  	[tilespmem:s1], [sflag:$0x1] =	stream.indirect.gather [hbm4b:s5+s9], $0x8, s7, s9, $0xb8;
	[tilespmem:$0xE000] =	vst v63  }
0x60: {  	_ = 	snop  }
0x61: {  	[tilespmem:s3], [sflag:$0x1] =	stream.indirect.gather [hbm4b:s5+s9], $0x8, s2, s9, $0xb8;
	[tilespmem:$0xE000] =	vst v63  }
0x62: {  	_ = 	snop  }
0x63: {  	[tilespmem:s12], [sflag:$0x1] =	stream.indirect.gather [hbm4b:s5+s9], $0x8, s10, s9, $0xb8;
	[tilespmem:$0xE000] =	vst v63  }
0x64: {  	_ = 	snop  }
0x65: {  	[tilespmem:s15], [sflag:$0x1] =	stream.indirect.gather [hbm4b:s5+s9], $0x8, s14, s9, $0xb8;
	[tilespmem:$0xE000] =	vst v63  }
0x66: {  	_ = 	snop  }
0x67: {  	[tilespmem:s17], [sflag:$0x1] =	stream.indirect.gather [hbm4b:s5+s9], $0x8, s16, s9, $0xb8;
	[tilespmem:$0xE000] =	vst v63  }
0x68: {  	_ = 	snop  }
0x69: {  	[tilespmem:s19], [sflag:$0x1] =	stream.indirect.gather [hbm4b:s5+s9], $0x8, s18, s9, $0xb8;
	[tilespmem:$0xE000] =	vst v63  }
0x6a: {  	_ = 	snop  }
0x6b: {  	[tilespmem:s21], [sflag:$0x1] =	stream.indirect.gather [hbm4b:s5+s9], $0x8, s20, s9, $0xb8;
	[tilespmem:$0xE000] =	vst v63  }
0x6c: {  	_ = 	snop  }
0x6d: {  	[tilespmem:s23], [sflag:$0x1] =	stream.indirect.gather [hbm4b:s5+s9], $0x8, s22, s9, $0xb8;
	[tilespmem:$0xE000] =	vst v63  }
0x6e: {  	_ =	swait.ge [sflag:s24], $0x400  }
0x6f: {  	[sflag:s24] =	ssyncset.done $0x0  }
0x70: {  	[sflag:s24] =	ssyncadd.s32 $0xFFFFFC00  }
0x71: {  	_ =	swait.ge [sflag:s24], $0x400  }
0x72: {  	[sflag:s24] =	ssyncset.done $0x0  }
0x73: {  	[sflag:s24] =	ssyncadd.s32 $0xFFFFFC00  }
0x74: {  	_ =	swait.ge [sflag:s24], $0x400  }
0x75: {  	[sflag:s24] =	ssyncset.done $0x0  }
0x76: {  	[sflag:s24] =	ssyncadd.s32 $0xFFFFFC00  }
0x77: {  	_ =	swait.ge [sflag:s24], $0x400  }
0x78: {  	[sflag:s24] =	ssyncset.done $0x0  }
0x79: {  	[sflag:s24] =	ssyncadd.s32 $0xFFFFFC00  }
0x7a: {  	_ =	swait.ge [sflag:s24], $0x400  }
0x7b: {  	[sflag:s24] =	ssyncset.done $0x0  }
0x7c: {  	[sflag:s24] =	ssyncadd.s32 $0xFFFFFC00  }
0x7d: {  	_ =	swait.ge [sflag:s24], $0x400  }
0x7e: {  	[sflag:s24] =	ssyncset.done $0x0  }
0x7f: {  	[sflag:s24] =	ssyncadd.s32 $0xFFFFFC00  }
0x80: {  	_ =	swait.ge [sflag:s24], $0x400  }
0x81: {  	[sflag:s24] =	ssyncset.done $0x0  }
0x82: {  	[sflag:s24] =	ssyncadd.s32 $0xFFFFFC00  }
0x83: {  	_ =	swait.ge [sflag:s24], $0x400  }
0x84: {  	[sflag:s24] =	ssyncset.done $0x0  }
0x85: {  	[sflag:s24] =	ssyncadd.s32 $0xFFFFFC00  }
0x86: {  	_ =	swait.ge [sflag:s24], $0x400  }
0x87: {  	[sflag:s24] =	ssyncset.done $0x0  }
0x88: {  	[sflag:s24] =	ssyncadd.s32 $0xFFFFFC00  }
0x89: {  	_ =	swait.ge [sflag:s24], $0x400  }
0x8a: {  	[sflag:s24] =	ssyncset.done $0x0  }
0x8b: {  	[sflag:s24] =	ssyncadd.s32 $0xFFFFFC00  }
0x8c: {  	_ =	swait.ge [sflag:s24], $0x400  }
0x8d: {  	[sflag:s24] =	ssyncset.done $0x0  }
0x8e: {  	[sflag:s24] =	ssyncadd.s32 $0xFFFFFC00  }
0x8f: {  	_ =	swait.ge [sflag:s24], $0x400  }
0x90: {  	[sflag:s24] =	ssyncset.done $0x0  }
0x91: {  	[sflag:s24] =	ssyncadd.s32 $0xFFFFFC00  }
0x92: {  	_ =	swait.ge [sflag:s24], $0x400  }
0x93: {  	[sflag:s24] =	ssyncset.done $0x0  }
0x94: {  	[sflag:s24] =	ssyncadd.s32 $0xFFFFFC00  }
0x95: {  	_ =	swait.ge [sflag:s24], $0x400  }
0x96: {  	[sflag:s24] =	ssyncset.done $0x0  }
0x97: {  	[sflag:s24] =	ssyncadd.s32 $0xFFFFFC00  }
0x98: {  	_ =	swait.ge [sflag:s24], $0x400  }
0x99: {  	[sflag:s24] =	ssyncset.done $0x0  }
0x9a: {  	[sflag:s24] =	ssyncadd.s32 $0xFFFFFC00  }
0x9b: {  	_ =	swait.ge [sflag:s24], $0x400  }
0x9c: {  	[sflag:s24] =	ssyncset.done $0x0  }
0x9d: {  	[sflag:s24] =	ssyncadd.s32 $0xFFFFFC00  }
0x9e: {  	_ =	swait.ge [sflag:s24], $0x400  }
0x9f: {  	[sflag:s24] =	ssyncset.done $0x0  }
0xa0: {  	[sflag:s24] =	ssyncadd.s32 $0xFFFFFC00  }
0xa1: {  	_ =	swait.ge [sflag:s24], $0x400  }
0xa2: {  	[sflag:s24] =	ssyncset.done $0x0  }
0xa3: {  	[sflag:s24] =	ssyncadd.s32 $0xFFFFFC00  }
0xa4: {  	_ =	swait.ge [sflag:s24], $0x400  }
0xa5: {  	[sflag:s24] =	ssyncset.done $0x0  }
0xa6: {  	[sflag:s24] =	ssyncadd.s32 $0xFFFFFC00  }
0xa7: {  	_ =	swait.ge [sflag:s24], $0x400  }
0xa8: {  	[sflag:s24] =	ssyncset.done $0x0  }
0xa9: {  	[sflag:s24] =	ssyncadd.s32 $0xFFFFFC00  }
0xaa: {  	_ =	swait.ge [sflag:s24], $0x400  }
0xab: {  	[sflag:s24] =	ssyncset.done $0x0  }
0xac: {  	[sflag:s24] =	ssyncadd.s32 $0xFFFFFC00  }
0xad: {  	_ =	swait.ge [sflag:s24], $0x400  }
0xae: {  	[sflag:s24] =	ssyncset.done $0x0  }
0xaf: {  	[sflag:s24] =	ssyncadd.s32 $0xFFFFFC00  }
0xb0: {  	_ =	swait.ge [sflag:s24], $0x400  }
0xb1: {  	[sflag:s24] =	ssyncset.done $0x0  }
0xb2: {  	[sflag:s24] =	ssyncadd.s32 $0xFFFFFC00  }
0xb3: {  	_ =	swait.ge [sflag:s24], $0x400  }
0xb4: {  	[sflag:s24] =	ssyncset.done $0x0  }
0xb5: {  	[sflag:s24] =	ssyncadd.s32 $0xFFFFFC00  }
0xb6: {  	_ =	swait.ge [sflag:s24], $0x400  }
0xb7: {  	[sflag:s24] =	ssyncset.done $0x0  }
0xb8: {  	[sflag:s24] =	ssyncadd.s32 $0xFFFFFC00  }
0xb9: {  	_ =	swait.ge [sflag:s24], $0x400  }
0xba: {  	[sflag:s24] =	ssyncset.done $0x0  }
0xbb: {  	[sflag:s24] =	ssyncadd.s32 $0xFFFFFC00  }
0xbc: {  	_ =	swait.ge [sflag:s24], $0x400  }
0xbd: {  	[sflag:s24] =	ssyncset.done $0x0  }
0xbe: {  	[sflag:s24] =	ssyncadd.s32 $0xFFFFFC00  }
0xbf: {  	_ =	swait.ge [sflag:s24], $0x400  }
0xc0: {  	[sflag:s24] =	ssyncset.done $0x0  }
0xc1: {  	[sflag:s24] =	ssyncadd.s32 $0xFFFFFC00  }
0xc2: {  	_ =	swait.ge [sflag:s24], $0x400  }
0xc3: {  	[sflag:s24] =	ssyncset.done $0x0  }
0xc4: {  	[sflag:s24] =	ssyncadd.s32 $0xFFFFFC00  }
0xc5: {  	_ =	swait.ge [sflag:s24], $0x400  }
0xc6: {  	[sflag:s24] =	ssyncset.done $0x0  }
0xc7: {  	[sflag:s24] =	ssyncadd.s32 $0xFFFFFC00  }
0xc8: {  	_ =	swait.ge [sflag:s24], $0x400  }
0xc9: {  	[sflag:s24] =	ssyncset.done $0x0  }
0xca: {  	[sflag:s24] =	ssyncadd.s32 $0xFFFFFC00  }
0xcb: {  	_ =	swait.ge [sflag:s24], $0x400  }
0xcc: {  	[sflag:s24] =	ssyncset.done $0x0  }
0xcd: {  	s30 =	simm.s32 $0x1810;
	s29 =	simm.s32 $0x0;
	[sflag:s24] =	ssyncadd.s32 $0xFFFFFC00  }
.LBB2_5:
0xce: {  	v2 =	vmov s29  }
0xcf: {  	v2 =	vshll.u32 v2, $0x3  }
0xd0: {  	v4 =	vor.u32 v1, v2  }
0xd1: {  	v5 =	vor.u32 $0x3, v4  }
0xd2: {  	v3 =	vor.u32 $0x4, v4  }
0xd3: {  	v2 =	vor.u32 $0x6, v4;
	_ =	sdelay $0x2  }
0xd4: {  	v6 =	vor.u32 $0x5, v4;
	v9 =	vld.idx.msk [tilespmem:v5+s11+$0x0], $0xffff  }
0xd5: {  	v7 =	vld.idx.msk [tilespmem:v3+s11+$0x0], $0xffff  }
0xd6: {  	v10 =	vld.idx.msk [tilespmem:v2+s11+$0x0], $0xffff  }
0xd7: {  	v11 =	vld.idx.msk [tilespmem:v5+s13+$0x0], $0xffff  }
0xd8: {  	v12 =	vld.idx.msk [tilespmem:v3+s13+$0x0], $0xffff  }
0xd9: {  	v14 =	vld.idx.msk [tilespmem:v6+s13+$0x0], $0xffff  }
0xda: {  	v13 =	vld.idx.msk [tilespmem:v2+s13+$0x0], $0xffff  }
0xdb: {  	v8 =	vld.idx.msk [tilespmem:v6+s11+$0x0], $0xffff;
	_ =	sdelay $0x1  }
0xdc: {  	v15 =	vsub.f32 $0.0e+00, v9;
	v16 =	vmul.f32 v11, v10  }
0xdd: {  	v18 =	vsub.f32 $0.0e+00, v7;
	v19 =	vmul.f32 v12, v10;
	v22 =	vmul.f32 v14, v10  }
0xde: {  	v17 =	vmul.f32 v13, v15;
	v20 =	vmul.f32 v14, v15  }
0xdf: {  	v21 =	vsub.f32 $0.0e+00, v8;
	v58 =	vmul.f32 v14, v18;
	v23 =	vmul.f32 v12, v15  }
0xe0: {  	v59 =	vmul.f32 v13, v18;
	v16 =	vadd.f32 v17, v16;
	v19 =	vsub.f32 v19, v20  }
0xe1: {  	v60 =	vmul.f32 v12, v21;
	v62 =	vmul.f32 v11, v18;
	v22 =	vadd.f32 v22, v23  }
0xe2: {  	v61 =	vmul.f32 v11, v21;
	v16 =	vadd.f32 v16, v58;
	v19 =	vadd.f32 v59, v19  }
0xe3: {  	v25 =	vsub.f32 v22, v62  }
0xe4: {  	v26 =	vmul.f32 v13, v21;
	v16 =	vsub.f32 v16, v60;
	v63 =	vadd.f32 v19, v61;
	_ =	sdelay $0x1  }
0xe5: {  	v19 =	vadd.f32 v25, v26;
	v27 =	vmul.f32 v16, v16;
	v28 =	vmul.f32 v63, v63;
	_ =	sdelay $0x1  }
0xe6: {  	v29 =	vmul.f32 v19, v19;
	v20 =	vadd.f32 v27, v28;
	_ =	sdelay $0x1  }
0xe7: {  	v20 =	vadd.f32 v20, v29;
	_ =	sdelay $0x1  }
0xe8: {  	v20 =	vadd.f32 $1.000000000e-30, v20;
	_ =	sdelay $0x1  }
0xe9: {  	v30 =	vshrl.u32 v20, $0x1;
	v31 =	vmul.f32 $5.000000000e-01, v20  }
0xea: {  	v22 =	vsub.s32 $0x5F3759DF, v30  }
0xeb: {  	v24 =	vmul.f32 v22, v31;
	_ =	sdelay $0x1  }
0xec: {  	v24 =	vmul.f32 v22, v24;
	_ =	sdelay $0x1  }
0xed: {  	v24 =	vsub.f32 $1.500000000e+00, v24;
	_ =	sdelay $0x1  }
0xee: {  	v22 =	vmul.f32 v22, v24;
	_ =	sdelay $0x1  }
0xef: {  	v23 =	vmul.f32 v22, v31  }
0xf0: {  	v13 =	vmul.f32 v13, v10;
	v11 =	vmul.f32 v11, v15  }
0xf1: {  	v32 =	vmul.f32 v23, v22  }
0xf2: {  	v12 =	vmul.f32 v12, v18;
	v11 =	vsub.f32 v13, v11  }
0xf3: {  	v33 =	vsub.f32 $1.500000000e+00, v32  }
0xf4: {  	v34 =	vmul.f32 v14, v21;
	v11 =	vsub.f32 v11, v12  }
0xf5: {  	v13 =	vmul.f32 v33, v22  }
0xf6: {  	v11 =	vsub.f32 v11, v34  }
0xf7: {  	v35 =	vmul.f32 v13, v20  }
0xf8: {  	v36 =	vand.u32 $0x7FFFFFFF, v11  }
0xf9: {  	v37 =	vmax.f32 v35, v36  }
0xfa: {  	(erf) = vrcp.f32 v37;
	_ =	sdelay $0x8  }
0xfb: {  	v38 =	vmin.f32 v35, v36;
	v39 =	vpop (erf)  }
0xfc: {  	v15 =	vmul.f32 v39, v38;
	_ =	sdelay $0x1  }
0xfd: {  	v18 =	vmul.f32 v15, v15;
	_ =	sdelay $0x1  }
0xfe: {  	v40 =	vmul.f32 $4.610803910e-03, v18;
	_ =	sdelay $0x1  }
0xff: {  	v20 =	vsub.f32 $2.386837450e-02, v40;
	_ =	sdelay $0x1  }
0x100: {  	v20 =	vmul.f32 v20, v18;
	_ =	sdelay $0x1  }
0x101: {  	v20 =	vadd.f32 $-5.880045150e-02, v20;
	_ =	sdelay $0x1  }
0x102: {  	v20 =	vmul.f32 v20, v18;
	_ =	sdelay $0x1  }
0x103: {  	v20 =	vadd.f32 $9.853833910e-02, v20;
	_ =	sdelay $0x1  }
0x104: {  	v20 =	vmul.f32 v20, v18;
	_ =	sdelay $0x1  }
0x105: {  	v20 =	vadd.f32 $-1.399170610e-01, v20;
	_ =	sdelay $0x1  }
0x106: {  	v20 =	vmul.f32 v20, v18;
	_ =	sdelay $0x1  }
0x107: {  	v20 =	vadd.f32 $1.996335540e-01, v20;
	_ =	sdelay $0x1  }
0x108: {  	v20 =	vmul.f32 v20, v18;
	_ =	sdelay $0x1  }
0x109: {  	v20 =	vadd.f32 $-3.333137040e-01, v20;
	_ =	sdelay $0x1  }
0x10a: {  	v18 =	vmul.f32 v20, v18;
	_ =	sdelay $0x1  }
0x10b: {  	v18 =	vadd.f32 $9.999997610e-01, v18;
	_ =	sdelay $0x1  }
0x10c: {  	v15 =	vmul.f32 v18, v15;
	_ =	sdelay $0x1  }
0x10d: {  	v18 =	vsub.f32 $1.570796370e+00, v15  }
0x10e: {  	vm0 =	vgt.f32 v35, v36  }
0x10f: {  	v12 =	vsel vm0, v18, v15  }
0x110: {  	v41 =	vld [tilespmem:s30+$0xFFFFFFF0];
	v15 =	vsub.f32 $3.141592740e+00, v12  }
0x111: {  	vm13 =	vlt.f32 v11, $0.0e+00  }
0x112: {  	v11 =	vsel vm13, v15, v12  }
0x113: {  	v11 =	vadd.f32 v11, v11;
	_ =	sdelay $0x1  }
0x114: {  	v42 =	vmul.f32 v11, v41;
	_ =	sdelay $0x1  }
0x115: {  	v12 =	vmul.f32 $5.000000000e-01, v42;
	_ =	sdelay $0x1  }
0x116: {  	v12 =	vmul.f32 v12, v12;
	_ =	sdelay $0x1  }
0x117: {  	v43 =	vmul.f32 $2.069596940e-08, v12;
	v44 =	vmul.f32 $1.724375200e-09, v12;
	_ =	sdelay $0x1  }
0x118: {  	v15 =	vsub.f32 $2.708326060e-06, v43;
	v18 =	vadd.f32 $-2.707544980e-07, v44;
	_ =	sdelay $0x1  }
0x119: {  	v15 =	vmul.f32 v15, v12;
	v18 =	vmul.f32 v18, v12  }
0x11a: {  	v45 =	vor.u32 $0x1, v4  }
0x11b: {  	v15 =	vadd.f32 $-1.981669190e-04, v15;
	v18 =	vadd.f32 $2.476905320e-05, v18;
	_ =	sdelay $0x1  }
0x11c: {  	v15 =	vmul.f32 v15, v12;
	v18 =	vmul.f32 v18, v12;
	_ =	sdelay $0x1  }
0x11d: {  	v48 =	vor.u32 $0x2, v4;
	v49 =	vld.idx.msk [tilespmem:v45+s11+$0x0], $0xffff;
	v15 =	vadd.f32 $8.332732130e-03, v15;
	v18 =	vadd.f32 $-1.388773210e-03, v18  }
0x11e: {  	v25 =	vld.idx.msk [tilespmem:v45+s13+$0x0], $0xffff  }
0x11f: {  	v15 =	vmul.f32 v15, v12;
	v18 =	vmul.f32 v18, v12  }
0x120: {  	v46 =	vld.idx.msk [tilespmem:v4+s11+$0x0], $0xffff  }
0x121: {  	v47 =	vld.idx.msk [tilespmem:v4+s13+$0x0], $0xffff;
	v15 =	vadd.f32 $-1.666660760e-01, v15;
	v18 =	vadd.f32 $4.166646300e-02, v18  }
0x122: {  	v53 =	vld.idx.msk [tilespmem:v48+s11+$0x0], $0xffff;
	v11 =	vmul.f32 v11, v13  }
0x123: {  	v26 =	vld.idx.msk [tilespmem:v48+s13+$0x0], $0xffff;
	v25 =	vsub.f32 v25, v49;
	v50 =	vmul.f32 v15, v12;
	v51 =	vmul.f32 v18, v12  }
0x124: {  	v11 =	vmul.f32 v11, v41  }
0x125: {  	v55 =	vmul.f32 v25, v41;
	v13 =	vadd.f32 $9.999998800e-01, v50;
	v15 =	vadd.f32 $-4.999998510e-01, v51  }
0x126: {  	v52 =	vsub.f32 v47, v46;
	v16 =	vmul.f32 v11, v16;
	v54 =	vmul.f32 v11, v63  }
0x127: {  	v13 =	vmul.f32 $5.000000000e-01, v13;
	v12 =	vmul.f32 v15, v12  }
0x128: {  	v56 =	vsub.f32 v26, v53;
	v11 =	vmul.f32 v11, v19;
	v18 =	vmul.f32 v52, v41  }
0x129: {  	v12 =	vadd.f32 $1.000000000e+00, v12;
	v16 =	vmul.f32 v13, v16;
	v15 =	vmul.f32 v13, v54  }
0x12a: {  	v11 =	vmul.f32 v13, v11;
	v13 =	vmul.f32 v56, v41  }
0x12b: {  	v18 =	vadd.f32 v18, v46;
	v57 =	vmul.f32 v16, v10;
	v58 =	vmul.f32 v12, v9  }
0x12c: {  	s0 =	sadd.s32 $0x10, s29;
	v17 =	vadd.f32 v55, v49;
	v59 =	vmul.f32 v15, v10;
	v60 =	vmul.f32 v11, v9  }
0x12d: {  	v35 =	vmov s0;
	[tilespmem:v4+s25+$0x0] =	vst.idx.msk $0xffff, v18;
	v62 =	vmul.f32 v11, v7;
	v63 =	vmul.f32 v12, v7  }
0x12e: {  	v37 =	vshll.u32 v35, $0x3;
	[tilespmem:v45+s25+$0x0] =	vst.idx.msk $0xffff, v17;
	v28 =	vmul.f32 v11, v10;
	v29 =	vmul.f32 v15, v9  }
0x12f: {  	v13 =	vadd.f32 v13, v53;
	v30 =	vmul.f32 v15, v8;
	v31 =	vmul.f32 v16, v8  }
0x130: {  	v32 =	vmul.f32 v16, v7;
	v10 =	vmul.f32 v12, v10;
	v61 =	vadd.f32 v58, v57  }
0x131: {  	v9 =	vmul.f32 v16, v9;
	v36 =	vmul.f32 v15, v7;
	v21 =	vsub.f32 v59, v60  }
0x132: {  	v12 =	vmul.f32 v12, v8;
	v22 =	vadd.f32 v29, v28;
	v14 =	vadd.f32 v61, v62  }
0x133: {  	v7 =	vor.u32 v1, v37;
	v9 =	vsub.f32 v10, v9;
	v21 =	vadd.f32 v21, v63  }
0x134: {  	v8 =	vmul.f32 v11, v8;
	v34 =	vsub.f32 v22, v32;
	v14 =	vsub.f32 v14, v30  }
0x135: {  	v4 =	vor.u32 $0x3, v7;
	[tilespmem:v48+s25+$0x0] =	vst.idx.msk $0xffff, v13;
	v9 =	vsub.f32 v9, v36;
	v33 =	vadd.f32 v21, v31  }
0x136: {  	v38 =	vadd.f32 v34, v12;
	[tilespmem:v5+s25+$0x0] =	vst.idx.msk $0xffff, v14  }
0x137: {  	v8 =	vsub.f32 v9, v8;
	v5 =	vor.u32 $0x4, v7;
	[tilespmem:v3+s25+$0x0] =	vst.idx.msk $0xffff, v33  }
0x138: {  	[tilespmem:v6+s25+$0x0] =	vst.idx.msk $0xffff, v38  }
0x139: {  	v3 =	vor.u32 $0x6, v7;
	[tilespmem:v2+s25+$0x0] =	vst.idx.msk $0xffff, v8  }
0x13a: {  	v9 =	vld.idx.msk [tilespmem:v4+s11+$0x0], $0xffff  }
0x13b: {  	v2 =	vor.u32 $0x5, v7;
	v39 =	vld.idx.msk [tilespmem:v4+s13+$0x0], $0xffff  }
0x13c: {  	v6 =	vld.idx.msk [tilespmem:v5+s11+$0x0], $0xffff  }
0x13d: {  	v40 =	vld.idx.msk [tilespmem:v5+s13+$0x0], $0xffff  }
0x13e: {  	v10 =	vld.idx.msk [tilespmem:v3+s11+$0x0], $0xffff  }
0x13f: {  	v13 =	vld.idx.msk [tilespmem:v3+s13+$0x0], $0xffff  }
0x140: {  	v14 =	vld.idx.msk [tilespmem:v2+s13+$0x0], $0xffff  }
0x141: {  	v8 =	vld.idx.msk [tilespmem:v2+s11+$0x0], $0xffff  }
0x142: {  	v41 =	vsub.f32 $0.0e+00, v9  }
0x143: {  	v42 =	vmul.f32 v39, v10  }
0x144: {  	v44 =	vsub.f32 $0.0e+00, v6;
	v43 =	vmul.f32 v13, v41;
	v45 =	vmul.f32 v40, v10  }
0x145: {  	v51 =	vmul.f32 v40, v41;
	v46 =	vmul.f32 v14, v41  }
0x146: {  	v47 =	vsub.f32 $0.0e+00, v8;
	v16 =	vadd.f32 v43, v42;
	v48 =	vmul.f32 v14, v44  }
0x147: {  	v49 =	vmul.f32 v13, v44;
	v50 =	vmul.f32 v14, v10;
	v19 =	vsub.f32 v45, v46  }
0x148: {  	v54 =	vmul.f32 v39, v44;
	v16 =	vadd.f32 v16, v48;
	v52 =	vmul.f32 v40, v47  }
0x149: {  	v53 =	vmul.f32 v39, v47;
	v22 =	vadd.f32 v50, v51;
	v19 =	vadd.f32 v49, v19  }
0x14a: {  	v16 =	vsub.f32 v16, v52  }
0x14b: {  	v57 =	vmul.f32 v13, v47;
	v56 =	vsub.f32 v22, v54;
	v55 =	vadd.f32 v19, v53;
	_ =	sdelay $0x1  }
0x14c: {  	v19 =	vadd.f32 v56, v57;
	v58 =	vmul.f32 v16, v16;
	v59 =	vmul.f32 v55, v55;
	_ =	sdelay $0x1  }
0x14d: {  	v60 =	vmul.f32 v19, v19;
	v20 =	vadd.f32 v58, v59;
	_ =	sdelay $0x1  }
0x14e: {  	v20 =	vadd.f32 v20, v60;
	_ =	sdelay $0x1  }
0x14f: {  	v20 =	vadd.f32 $1.000000000e-30, v20;
	_ =	sdelay $0x1  }
0x150: {  	v61 =	vshrl.u32 v20, $0x1;
	v62 =	vmul.f32 $5.000000000e-01, v20  }
0x151: {  	v22 =	vsub.s32 $0x5F3759DF, v61  }
0x152: {  	v63 =	vmul.f32 v22, v62;
	_ =	sdelay $0x1  }
0x153: {  	v24 =	vmul.f32 v22, v63;
	_ =	sdelay $0x1  }
0x154: {  	v24 =	vsub.f32 $1.500000000e+00, v24;
	_ =	sdelay $0x1  }
0x155: {  	v22 =	vmul.f32 v22, v24;
	_ =	sdelay $0x1  }
0x156: {  	v23 =	vmul.f32 v22, v62  }
0x157: {  	v11 =	vmul.f32 v39, v41;
	v13 =	vmul.f32 v13, v10  }
0x158: {  	v26 =	vmul.f32 v23, v22  }
0x159: {  	v12 =	vmul.f32 v40, v44;
	v11 =	vsub.f32 v13, v11  }
0x15a: {  	v27 =	vsub.f32 $1.500000000e+00, v26  }
0x15b: {  	v28 =	vmul.f32 v14, v47;
	v11 =	vsub.f32 v11, v12  }
0x15c: {  	v13 =	vmul.f32 v27, v22  }
0x15d: {  	v11 =	vsub.f32 v11, v28  }
0x15e: {  	v29 =	vmul.f32 v13, v20  }
0x15f: {  	v30 =	vand.u32 $0x7FFFFFFF, v11  }
0x160: {  	v31 =	vmax.f32 v29, v30  }
0x161: {  	(erf) = vrcp.f32 v31;
	_ =	sdelay $0x8  }
0x162: {  	v32 =	vmin.f32 v29, v30;
	v33 =	vpop (erf)  }
0x163: {  	v15 =	vmul.f32 v33, v32;
	_ =	sdelay $0x1  }
0x164: {  	v18 =	vmul.f32 v15, v15;
	_ =	sdelay $0x1  }
0x165: {  	v34 =	vmul.f32 $4.610803910e-03, v18;
	_ =	sdelay $0x1  }
0x166: {  	v20 =	vsub.f32 $2.386837450e-02, v34;
	_ =	sdelay $0x1  }
0x167: {  	v20 =	vmul.f32 v20, v18;
	_ =	sdelay $0x1  }
0x168: {  	v20 =	vadd.f32 $-5.880045150e-02, v20;
	_ =	sdelay $0x1  }
0x169: {  	v20 =	vmul.f32 v20, v18;
	_ =	sdelay $0x1  }
0x16a: {  	v20 =	vadd.f32 $9.853833910e-02, v20;
	_ =	sdelay $0x1  }
0x16b: {  	v20 =	vmul.f32 v20, v18;
	_ =	sdelay $0x1  }
0x16c: {  	v20 =	vadd.f32 $-1.399170610e-01, v20;
	_ =	sdelay $0x1  }
0x16d: {  	v20 =	vmul.f32 v20, v18;
	_ =	sdelay $0x1  }
0x16e: {  	v20 =	vadd.f32 $1.996335540e-01, v20;
	_ =	sdelay $0x1  }
0x16f: {  	v20 =	vmul.f32 v20, v18;
	_ =	sdelay $0x1  }
0x170: {  	v20 =	vadd.f32 $-3.333137040e-01, v20;
	_ =	sdelay $0x1  }
0x171: {  	v18 =	vmul.f32 v20, v18;
	_ =	sdelay $0x1  }
0x172: {  	v18 =	vadd.f32 $9.999997610e-01, v18;
	_ =	sdelay $0x1  }
0x173: {  	v15 =	vmul.f32 v18, v15;
	_ =	sdelay $0x1  }
0x174: {  	v18 =	vsub.f32 $1.570796370e+00, v15  }
0x175: {  	vm14 =	vgt.f32 v29, v30  }
0x176: {  	v12 =	vsel vm14, v18, v15  }
0x177: {  	v35 =	vld [tilespmem:s30+$0x0];
	v15 =	vsub.f32 $3.141592740e+00, v12  }
0x178: {  	vm15 =	vlt.f32 v11, $0.0e+00  }
0x179: {  	v11 =	vsel vm15, v15, v12  }
0x17a: {  	v11 =	vadd.f32 v11, v11;
	_ =	sdelay $0x1  }
0x17b: {  	v36 =	vmul.f32 v11, v35;
	_ =	sdelay $0x1  }
0x17c: {  	v12 =	vmul.f32 $5.000000000e-01, v36;
	_ =	sdelay $0x1  }
0x17d: {  	v12 =	vmul.f32 v12, v12;
	_ =	sdelay $0x1  }
0x17e: {  	v37 =	vmul.f32 $2.069596940e-08, v12;
	v38 =	vmul.f32 $1.724375200e-09, v12;
	_ =	sdelay $0x1  }
0x17f: {  	v15 =	vsub.f32 $2.708326060e-06, v37;
	v18 =	vadd.f32 $-2.707544980e-07, v38;
	_ =	sdelay $0x1  }
0x180: {  	v15 =	vmul.f32 v15, v12;
	v18 =	vmul.f32 v18, v12  }
0x181: {  	v39 =	vor.u32 $0x1, v7  }
0x182: {  	v15 =	vadd.f32 $-1.981669190e-04, v15;
	v18 =	vadd.f32 $2.476905320e-05, v18;
	_ =	sdelay $0x1  }
0x183: {  	v15 =	vmul.f32 v15, v12;
	v18 =	vmul.f32 v18, v12  }
0x184: {  	v41 =	vor.u32 $0x2, v7;
	v43 =	vld.idx.msk [tilespmem:v7+s13+$0x0], $0xffff  }
0x185: {  	v42 =	vld.idx.msk [tilespmem:v39+s11+$0x0], $0xffff;
	v15 =	vadd.f32 $8.332732130e-03, v15;
	v18 =	vadd.f32 $-1.388773210e-03, v18  }
0x186: {  	v44 =	vld.idx.msk [tilespmem:v39+s13+$0x0], $0xffff  }
0x187: {  	v40 =	vld.idx.msk [tilespmem:v7+s11+$0x0], $0xffff;
	v15 =	vmul.f32 v15, v12;
	v18 =	vmul.f32 v18, v12;
	_ =	sdelay $0x1  }
0x188: {  	v45 =	vld.idx.msk [tilespmem:v41+s11+$0x0], $0xffff;
	v15 =	vadd.f32 $-1.666660760e-01, v15;
	v18 =	vadd.f32 $4.166646300e-02, v18  }
0x189: {  	v27 =	vld.idx.msk [tilespmem:v41+s13+$0x0], $0xffff;
	v11 =	vmul.f32 v11, v13  }
0x18a: {  	v47 =	vsub.f32 v44, v42;
	v15 =	vmul.f32 v15, v12;
	v18 =	vmul.f32 v18, v12  }
0x18b: {  	v46 =	vsub.f32 v43, v40;
	v11 =	vmul.f32 v11, v35  }
0x18c: {  	v24 =	vmul.f32 v47, v35;
	v15 =	vadd.f32 $9.999998800e-01, v15;
	v18 =	vadd.f32 $-4.999998510e-01, v18  }
0x18d: {  	v13 =	vmul.f32 v46, v35;
	v16 =	vmul.f32 v11, v16  }
0x18e: {  	v48 =	vsub.f32 v27, v45;
	v15 =	vmul.f32 $5.000000000e-01, v15;
	v12 =	vmul.f32 v18, v12  }
0x18f: {  	v23 =	vadd.f32 v24, v42;
	v17 =	vmul.f32 v11, v55;
	v11 =	vmul.f32 v11, v19  }
0x190: {  	v14 =	vmul.f32 v48, v35;
	v12 =	vadd.f32 $1.000000000e+00, v12;
	v16 =	vmul.f32 v15, v16  }
0x191: {  	v13 =	vadd.f32 v13, v40;
	v17 =	vmul.f32 v15, v17;
	v11 =	vmul.f32 v15, v11  }
0x192: {  	v14 =	vadd.f32 v14, v45;
	v49 =	vmul.f32 v16, v10;
	v50 =	vmul.f32 v12, v9  }
0x193: {  	[tilespmem:v7+s25+$0x0] =	vst.idx.msk $0xffff, v13;
	v51 =	vmul.f32 v17, v10;
	v52 =	vmul.f32 v11, v9  }
0x194: {  	[tilespmem:v39+s25+$0x0] =	vst.idx.msk $0xffff, v23;
	v53 =	vmul.f32 v11, v6;
	v54 =	vmul.f32 v12, v6  }
0x195: {  	[tilespmem:v41+s25+$0x0] =	vst.idx.msk $0xffff, v14;
	v55 =	vmul.f32 v17, v8;
	v56 =	vmul.f32 v16, v8  }
0x196: {  	v57 =	vmul.f32 v11, v10;
	v58 =	vmul.f32 v17, v9;
	v15 =	vadd.f32 v50, v49  }
0x197: {  	v10 =	vmul.f32 v12, v10;
	v9 =	vmul.f32 v16, v9;
	v19 =	vsub.f32 v51, v52  }
0x198: {  	v16 =	vmul.f32 v16, v6;
	v60 =	vadd.f32 v58, v57;
	v15 =	vadd.f32 v15, v53  }
0x199: {  	v6 =	vmul.f32 v17, v6;
	v9 =	vsub.f32 v10, v9;
	v19 =	vadd.f32 v19, v54  }
0x19a: {  	p0 =	sne.s32 s29, $0x7E0;
	v62 =	vmul.f32 v12, v8;
	v61 =	vsub.f32 v60, v16;
	v15 =	vsub.f32 v15, v55  }
.Ltmp1:
0x19b: {  	v8 =	vmul.f32 v11, v8;
	v6 =	vsub.f32 v9, v6;
	v59 =	vadd.f32 v19, v56;
	(pc) =	sbr.rel @p0 .LBB2_5-.Ltmp1, $4  }
0x19c: {  	v7 =	vadd.f32 v61, v62;
	[tilespmem:v4+s25+$0x0] =	vst.idx.msk $0xffff, v15  }
0x19d: {  	v63 =	vsub.f32 v6, v8;
	[tilespmem:v5+s25+$0x0] =	vst.idx.msk $0xffff, v59  }
0x19e: {  	[tilespmem:v2+s25+$0x0] =	vst.idx.msk $0xffff, v7  }
0x19f: {  	s29 =	sadd.s32 $0x20, s29;
	s30 =	sadd.s32 $0x20, s30;
	[tilespmem:v3+s25+$0x0] =	vst.idx.msk $0xffff, v63  }
0x1a0: {  	s26 =	sadd.s32 $0x1, s26  }
0x1a1: {  	s0 =	rddreg [dreg:$0x2];
	p0 =	sne.s32 s26, $0x20  }
.Ltmp2:
0x1a2: {  	s31 =	simm.s32 $0x0;
	s0 =	sadd.s32 s0, s28;
	(pc) =	sbr.rel @p0 .LBB2_2-.Ltmp2, $4  }
0x1a3: {  	[hbm4b:s0+s31] =	stream.linear.scatter [tilespmem:s25], [sflag:$0x2], $0x4000, $0x38;
	[tilespmem:$0xE000] =	vst v63  }
0x1a4: {  	_ =	swait.ge [sflag:s8], $0x4000  }
0x1a5: {  	[sflag:s8] =	ssyncset.done $0x0  }
0x1a6: {  	[sflag:s8] =	ssyncadd.s32 $0xFFFFC000  }
0x1a7: {  	s26 =	rddreg [dreg:$0x5]  }
0x1a8: {  	s0 =	rddreg [dreg:$0x4];
	s26 =	sadd.s32 $0x1, s26  }
0x1a9: {  	p0 =	sne.s32 s26, s0  }
.Ltmp3:
0x1aa: {  	_ = 	snop;
	(pc) =	sbr.rel @p0 .LBB2_1-.Ltmp3, $1  }
0x1ab: {  	_ =	sdelay $0x3  }
0x1ac: {  	_ =	sfence.sel $0x180000  }
0x1ad: {  	[bflag:$0x0] =	sbarrier.arrive $0xFFFF  }
0x1ae: {  	_ =	strace $0x90000047  }
0x1af: {  	s0 =	stileid.u32;
	[bflag:$0x2] =	sbarrier.arrive $0xFFFF  }
0x1b0: {  	p0 =	sne.s32 s0, $0x0;
	s0 =	rddreg [dreg:$0x3]  }
0x1b1: {  	s0 =	sadd.s32 @!p0 $0x100000, s0  }
0x1b2: {  	[sflag:s0] =	ssyncadd.tile.s32 @!p0 $0x1;
	_ =	shalt  }
.Lfunc_end2:
_tile_overlayer_lowered:
.L_overlay_start_2:
0x1b3: {  	(tag) =	ssettag $0x2  }
0x1b4: {  	s0 =	rddreg [dreg:$0x0];
	s2 =	stileid.u32  }
0x1b5: {  	s1 =	rddreg [dreg:$0x1];
	p0 =	sne.s32 s2, $0x0  }
0x1b6: {  	s3 =	rddreg [dreg:$0x2];
	[bflag:$0x3] =	sbarrier.arrive $0xFFFF;
	s2 =	simm.s32 @!p0 $0x1C02  }
0x1b7: {  	[timem:s3], [sflag:s2] =	dma.local @!p0 [hbm:s0], s1  }
0x1b8: {  	s0 =	simm.s32 @!p0 $0x2  }
0x1b9: {  	_ =	swait.ge @!p0 [sflag:s0], s1  }
0x1ba: {  	s1 =	ssub.s32 @!p0 $0x0, s1;
	[sflag:s0] =	ssyncset.done @!p0 $0x0  }
0x1bb: {  	[sflag:s0] =	ssyncadd.s32 @!p0 s1  }
0x1bc: {  	[bflag:$0x3] =	sbarrier.arrive $0xFFFF  }
0x1bd: {  	_ =	shalt  }

// kernel: sparse-core-data-format-call.cloned.1.call-start
scs
called_computation_lowered:
.L_overlay_start_0:
0x0: {  	s2 =	sld [smem:$0x3FD9]  }
0x1: {  	s3 =	sld [smem:$0x3FFE];
	_ =	sdelay $0x1  }
0x2: {  	s1 =	srdreg.scid  }
0x3: {  	s0 =	sand.u32 $0x1, s1  }
0x4: {  	s18 =	sshll.u32 s0, $0xA;
	s2 =	sadd.s32 s3, s2  }
0x5: {  	s2 =	sadd.s32 s2, s18  }
0x6: {  	[smem:$0x3FC6] =	sst s2  }
0x7: {  	_ = 	snop  }
0x8: {  	s2 =	sld [smem:$0x3FD0];
	(tm) =	ssettm $0x1  }
0x9: {  	s19 =	sld [smem:$0x3FFB];
	_ =	sdelay $0x3  }
0xa: {  	_ =	strace s19  }
0xb: {  	s3 =	sld [smem:$0x3FFC];
	_ =	sdelay $0x3  }
0xc: {  	_ =	strace s3  }
0xd: {  	s3 =	sld [smem:$0x3FFD];
	_ =	sdelay $0x3  }
0xe: {  	_ =	strace s3  }
0xf: {  	_ =	strace $0x8FFFFFFF  }
0x10: {  	s20 =	sld [smem:$0x3FDB];
	_ =	sdelay $0x1  }
0x11: {  	s4 =	simm.s32 $_scs_section_size  }
0x12: {  	s5 =	simm.s32 $_size__tile_overlayer_lowered;
	s6 =	simm.s32 $_tile_overlayer_lowered  }
0x13: {  	s23 =	simm.s32 $0x1BFF;
	s22 =	sshll.u32 s6, $0x1;
	s3 =	sadd.s32 s4, s20  }
0x14: {  	s7 =	simm.s32 $0x0;
	s21 =	sshll.u32 s5, $0x1;
	s5 =	sadd.s32 s22, s3  }
0x15: {  	[timem:s7], [sflag:s23] =	dma.local [hbm:s5], s21  }
0x16: {  	_ =	swait.ge [sflag:s23], s21  }
0x17: {  	s4 =	ssub.s32 $0x0, s21;
	[sflag:s23] =	ssyncset.done $0x0  }
0x18: {  	[sflag:s23] =	ssyncadd.s32 s4;
	_ =	sdelay $0x1  }
0x19: {  	s24 =	simm.s32 $0x1B8B  }
0x1a: {  	_ =	swait.ge [sflag:s24], $0x1  }
0x1b: {  	[sflag:s24] =	ssyncset.done $0x0  }
0x1c: {  	s26 =	simm.s32 $0x1B8E;
	s25 =	sld [smem:$0x3FFE];
	[sflag:s24] =	ssyncadd.s32 $0xFFFFFFFF  }
0x1d: {  	s27 =	simm.s32 $execute0_lowered;
	[smem:$0x3FD2] =	sst s26  }
0x1e: {  	s5 =	sshll.u32 s27, $0x1;
	_ =	strace $0x80000049;
	[dreg:$0x1] =	wrdreg $0xFFFFFFFF  }
0x1f: {  	s28 =	simm.s32 $_size_execute0_lowered;
	s3 =	sadd.s32 s3, s5;
	[dreg:$0x0] =	wrdreg $0x0  }
0x20: {  	s5 =	sshll.u32 s28, $0x1;
	[dreg:$0x2] =	wrdreg s3  }
0x21: {  	[dreg:$0x3] =	wrdreg s5  }
0x22: {  	[dreg:$0x4] =	wrdreg $0xC0  }
0x23: {  	_ =	task [dreg:s7], $0x5FFFF  }
0x24: {  	[dreg:$0x1] =	wrdreg $0xFFFFFFFF  }
0x25: {  	[dreg:$0x0] =	wrdreg $0x60  }
0x26: {  	[dreg:$0x2] =	wrdreg s25  }
0x27: {  	[dreg:$0x3] =	wrdreg s2  }
0x28: {  	[dreg:$0x4] =	wrdreg $0x9  }
0x29: {  	_ =	task.clear_ibuf [dreg:s7], $0x5FFFF;
	_ =	strace $0x90000049  }
0x2a: {  	s29 =	simm.s32 $0x9;
	_ =	strace $0x8000004B  }
0x2b: {  	_ =	swait.ge [sflag:s29], $0x1  }
0x2c: {  	[sflag:s29] =	ssyncadd.s32 $0xFFFFFFFF  }
0x2d: {  	_ =	strace $0x9000004B  }
0x2e: {  	_ =	sfence  }
0x2f: {  	s30 =	sld [smem:$0x0];
	_ =	sdelay $0x2  }
0x30: {  	s31 =	sshll.u32 s1, $0xD;
	s1 =	sshrl.u32 s1, $0x2  }
0x31: {  	s3 =	sand.u32 $0x4000, s31;
	s1 =	sadd.s32 s1, s30  }
0x32: {  	s0 =	sor.u32 s3, s0;
	s1 =	sshll.u32 s1, $0x11  }
0x33: {  	s0 =	sor.u32 s1, s0  }
0x34: {  	s0 =	sadd.s32 $0x8F2B, s0  }
0x35: {  	[sflag:s0] =	ssyncadd.remote.s32 $0x1  }
0x36: {  	_ =	sfence.sel $0xFFFF  }
0x37: {  	[dreg:$0x0] =	wrdreg $0xFFFFFFFF;
	(pc) =	sbr.abs _section_cstart, $3  }
0x38: {  	[dreg:$0x1] =	wrdreg $0xFFFFFFFF  }
0x39: {  	_ =	task.clear_ibuf [dreg:s7], $0x2FFFF;
	_ =	strace $0x9FFFFFFF  }
0x3a: {  	(tm) =	ssettm $0x7FFFFFFF  }
0x3b: {  	_ =	shalt  }
tec
execute0_lowered:
.L_overlay_start_1:
0x0: {  	(tag) =	ssettag $0x1  }
0x1: {  	s0 =	srdreg.scid  }
0x2: {  	s1 =	sshll.u32 s0, $0x4  }
0x3: {  	s6 =	rddreg [dreg:$0x0];
	s0 =	stileid.u32;
	s1 =	sand.u32 $0x10, s1  }
0x4: {  	s3 =	rddreg [dreg:$0x1];
	s1 =	sor.u32 s0, s1  }
0x5: {  	s7 =	simm.s32 $0x1;
	s8 =	simm.s32 $0x2;
	s2 =	sshll.u32 s1, $0x7  }
0x6: {  	s10 =	simm.s32 $0x0;
	s9 =	simm.s32 $0x0;
	s5 =	ssub.s32 $0x200000, s2  }
.Ltmp0:
0x7: {  	s6 =	sadd.s32 $0x800, s6;
	s4 =	sand.u32 $0xF80, s5;
	(pc) =	sbr.rel .LBB1_1-.Ltmp0, $4  }
0x8: {  	s1 =	rddreg [dreg:$0x2];
	_ =	strace $0x8000004A;
	p0 =	sne.s32 s4, $0x0  }
0x9: {  	s5 =	sshrl.u32 s5, $0xC;
	s4 =	simm.s32 $0x1;
	s7 =	simm.s32 @!p0 $0x0  }
0xa: {  	[sflag:s4] =	ssyncpa.u1 $0x0;
	p0 =	por $0x0, $0x0;
	s5 =	sadd.s32 s7, s5  }
0xb: {  	[sflag:s8] =	ssyncpa.u1 $0x0;
	s8 =	smov.u32 s2;
	s7 =	sadd.s32 $0x1, s5  }
.LBB1_4:
0xc: {  	[tilespmem:s20+$0xFFFFFFFA ss:$0x81] =	vst.msk $0xff, v4  }
0xd: {  	v4 =	vld.msk [tilespmem:s21+$0xFFFFFFF0], $0xff;
	_ =	sdelay $0x3  }
0xe: {  	[tilespmem:s18+$0xFFFFFFFB ss:$0x81] =	vst.msk $0xff, v3  }
0xf: {  	v3 =	vld.msk [tilespmem:s19+$0xFFFFFFF8], $0xff;
	[tilespmem:s20+$0xFFFFFFFB ss:$0x81] =	vst.msk $0xff, v4  }
0x10: {  	v4 =	vld.msk [tilespmem:s21+$0xFFFFFFF8], $0xff;
	_ =	sdelay $0x3  }
0x11: {  	v5 =	vld.msk [tilespmem:s17+$0x0], $0xff;
	[tilespmem:s18+$0xFFFFFFFC ss:$0x81] =	vst.msk $0xff, v3  }
0x12: {  	v3 =	vld.msk [tilespmem:s19+$0x0], $0xff;
	[tilespmem:s20+$0xFFFFFFFC ss:$0x81] =	vst.msk $0xff, v4  }
0x13: {  	v4 =	vld.msk [tilespmem:s21+$0x0], $0xff;
	_ =	sdelay $0x2  }
0x14: {  	[tilespmem:s16+$0xFFFFFFFD ss:$0x81] =	vst.msk $0xff, v5  }
0x15: {  	v5 =	vld.msk [tilespmem:s17+$0x8], $0xff;
	[tilespmem:s18+$0xFFFFFFFD ss:$0x81] =	vst.msk $0xff, v3  }
0x16: {  	v3 =	vld.msk [tilespmem:s19+$0x8], $0xff;
	[tilespmem:s20+$0xFFFFFFFD ss:$0x81] =	vst.msk $0xff, v4  }
0x17: {  	v4 =	vld.msk [tilespmem:s21+$0x8], $0xff;
	_ =	sdelay $0x1  }
0x18: {  	[tilespmem:s14+$0xFFFFFFFE ss:$0x81] =	vst.msk $0xff, v2  }
0x19: {  	v2 =	vld.msk [tilespmem:s15+$0x10], $0xff;
	[tilespmem:s16+$0xFFFFFFFE ss:$0x81] =	vst.msk $0xff, v5  }
0x1a: {  	v5 =	vld.msk [tilespmem:s17+$0x10], $0xff;
	[tilespmem:s18+$0xFFFFFFFE ss:$0x81] =	vst.msk $0xff, v3  }
0x1b: {  	v3 =	vld.msk [tilespmem:s19+$0x10], $0xff;
	[tilespmem:s20+$0xFFFFFFFE ss:$0x81] =	vst.msk $0xff, v4  }
0x1c: {  	v4 =	vld.msk [tilespmem:s21+$0x10], $0xff  }
0x1d: {  	[tilespmem:s12+$0xFFFFFFFF ss:$0x81] =	vst.msk $0xff, v1  }
0x1e: {  	v1 =	vld.msk [tilespmem:s13+$0x18], $0xff;
	[tilespmem:s14+$0xFFFFFFFF ss:$0x81] =	vst.msk $0xff, v2  }
0x1f: {  	v2 =	vld.msk [tilespmem:s15+$0x18], $0xff;
	[tilespmem:s16+$0xFFFFFFFF ss:$0x81] =	vst.msk $0xff, v5  }
0x20: {  	v61 =	vld.msk [tilespmem:s17+$0x18], $0xff;
	[tilespmem:s18+$0xFFFFFFFF ss:$0x81] =	vst.msk $0xff, v3  }
0x21: {  	v62 =	vld.msk [tilespmem:s19+$0x18], $0xff;
	[tilespmem:s20+$0xFFFFFFFF ss:$0x81] =	vst.msk $0xff, v4  }
0x22: {  	[tilespmem:s11+$0x0 ss:$0x81] =	vst.msk $0xff, v0;
	v63 =	vld.msk [tilespmem:s21+$0x18], $0xff  }
0x23: {  	s28 =	sshll.u32 s10, $0x3;
	[tilespmem:s12+$0x0 ss:$0x81] =	vst.msk $0xff, v1  }
0x24: {  	s29 =	sand.u32 $0x78, s10;
	s11 =	sand.u32 $0x1FFC00, s28;
	[tilespmem:s14+$0x0 ss:$0x81] =	vst.msk $0xff, v2  }
0x25: {  	s30 =	sand.u32 $0x1C0000, s10;
	s11 =	sor.u32 s29, s11;
	[tilespmem:s16+$0x0 ss:$0x81] =	vst.msk $0xff, v61  }
0x26: {  	s11 =	sshrl.u32 s11, $0x3;
	s12 =	sadd.s32 s3, s30;
	[tilespmem:s18+$0x0 ss:$0x81] =	vst.msk $0xff, v62  }
0x27: {  	s31 =	sand.u32 $0x7, s10;
	s11 =	sadd.s32 s11, s12;
	[tilespmem:s20+$0x0 ss:$0x81] =	vst.msk $0xff, v63  }
0x28: {  	[hbm4b:s11+s31] =	stream.linear.scatter [tilespmem:s22], [sflag:$0x2], $0x400, $0x20;
	[tilespmem:$0x1010] =	vst v63  }
.LBB1_5:
0x29: {  	s12 =	sadd.s32 $0x1000, s8  }
0x2a: {  	p2 =	sgt.s32 s12, $0x1FFFFF  }
0x2b: {  	s12 =	smov.u32 @p2 s2;
	p2 =	sne.s32 s9, s7  }
.Ltmp1:
0x2c: {  	p1 =	slt.u32 s9, $0x2;
	(pc) =	sbr.rel @!p2 .LBB1_6-.Ltmp1, $4  }
0x2d: {  	s11 =	simm.s32 @!p1 $0x2  }
0x2e: {  	s13 =	sadd.s32 $0x1, s9;
	_ =	swait.ge @!p1 [sflag:s11], $0x400  }
0x2f: {  	s10 =	smov.u32 s8;
	p0 =	por !p0, !p0;
	[sflag:s11] =	ssyncset.done @!p1 $0x0  }
0x30: {  	s9 =	smov.u32 s13;
	s8 =	smov.u32 s12;
	[sflag:s11] =	ssyncadd.s32 @!p1 $0xFFFFFC00  }
.LBB1_1:
0x31: {  	p1 =	sge.u32 s9, s5  }
0x32: {  	s31 =	sadd.s32 $0xFFFFFFFF, s9;
	s11 =	sxor.u32 @!p1 $0xFFFFFFFF, s9;
	s12 =	sshll.u32 @!p1 s8, $0x4  }
0x33: {  	s13 =	simm.s32 @!p1 $0x8;
	s11 =	sshll.u32 @!p1 s11, $0xA;
	s12 =	sand.u32 @!p1 $0x1FFFFF0, s12  }
0x34: {  	s14 =	simm.s32 @!p1 $0x80;
	s11 =	sand.u32 @!p1 $0x400, s11;
	s12 =	sadd.s32 @!p1 s6, s12  }
0x35: {  	[tilespmem:s11], [sflag:$0x1] =	stream.strided.gather @!p1 [hbm4b:s12+s13], $0x400, s14, s13, $0x38;
	[tilespmem:$0x1010] =	vst v63  }
0x36: {  	p1 =	sge.u32 s31, s5  }
.Ltmp2:
0x37: {  	_ = 	snop;
	(pc) =	sbr.rel @p1 .LBB1_5-.Ltmp2, $1  }
0x38: {  	_ =	sdelay $0x3  }
0x39: {  	s11 =	simm.s32 $0x1  }
0x3a: {  	_ =	swait.ge [sflag:s4], $0x400;
	s11 =	simm.s32 @!p0 $0x0  }
0x3b: {  	[sflag:s4] =	ssyncset.done $0x0;
	s12 =	sshll.u32 s11, $0xA  }
0x3c: {  	[sflag:s4] =	ssyncadd.s32 $0xFFFFFC00;
	s20 =	sor.u32 $0x20, s12  }
0x3d: {  	v0 =	vld.msk [tilespmem:s20+$0xFFFFFFE0], $0xff  }
0x3e: {  	s11 =	smul.u32 $0x1020, s11;
	_ =	sdelay $0x1  }
0x3f: {  	s11 =	sshrl.u32 s11, $0x2  }
0x40: {  	s11 =	sor.u32 $0x807, s11  }
0x41: {  	[tilespmem:s11+$0xFFFFFFF9 ss:$0x81] =	vst.msk $0xff, v0  }
0x42: {  	v0 =	vld.msk [tilespmem:s20+$0xFFFFFFE8], $0xff  }
0x43: {  	s13 =	sadd.s32 $0x40, s20  }
0x44: {  	v1 =	vld.msk [tilespmem:s13+$0xFFFFFFE0], $0xff;
	_ =	sdelay $0x2  }
0x45: {  	[tilespmem:s11+$0xFFFFFFFA ss:$0x81] =	vst.msk $0xff, v0  }
0x46: {  	s12 =	sadd.s32 $0x8, s11;
	v0 =	vld.msk [tilespmem:s20+$0xFFFFFFF0], $0xff  }
0x47: {  	[tilespmem:s12+$0xFFFFFFF9 ss:$0x81] =	vst.msk $0xff, v1  }
0x48: {  	v1 =	vld.msk [tilespmem:s13+$0xFFFFFFE8], $0xff  }
0x49: {  	s15 =	sadd.s32 $0x40, s13  }
0x4a: {  	v2 =	vld.msk [tilespmem:s15+$0xFFFFFFE0], $0xff  }
0x4b: {  	[tilespmem:s11+$0xFFFFFFFB ss:$0x81] =	vst.msk $0xff, v0  }
0x4c: {  	v0 =	vld.msk [tilespmem:s20+$0xFFFFFFF8], $0xff  }
0x4d: {  	[tilespmem:s12+$0xFFFFFFFA ss:$0x81] =	vst.msk $0xff, v1  }
0x4e: {  	s14 =	sadd.s32 $0x8, s12;
	v1 =	vld.msk [tilespmem:s13+$0xFFFFFFF0], $0xff  }
0x4f: {  	[tilespmem:s14+$0xFFFFFFF9 ss:$0x81] =	vst.msk $0xff, v2  }
0x50: {  	s17 =	sadd.s32 $0x40, s15;
	v2 =	vld.msk [tilespmem:s15+$0xFFFFFFE8], $0xff  }
0x51: {  	[tilespmem:s11+$0xFFFFFFFC ss:$0x81] =	vst.msk $0xff, v0;
	v0 =	vld.msk [tilespmem:s17+$0xFFFFFFE0], $0xff  }
0x52: {  	v3 =	vld.msk [tilespmem:s20+$0x0], $0xff  }
0x53: {  	[tilespmem:s12+$0xFFFFFFFB ss:$0x81] =	vst.msk $0xff, v1  }
0x54: {  	v1 =	vld.msk [tilespmem:s13+$0xFFFFFFF8], $0xff  }
0x55: {  	s16 =	sadd.s32 $0x8, s14;
	[tilespmem:s14+$0xFFFFFFFA ss:$0x81] =	vst.msk $0xff, v2  }
0x56: {  	v2 =	vld.msk [tilespmem:s15+$0xFFFFFFF0], $0xff;
	[tilespmem:s16+$0xFFFFFFF9 ss:$0x81] =	vst.msk $0xff, v0  }
0x57: {  	v0 =	vld.msk [tilespmem:s17+$0xFFFFFFE8], $0xff;
	[tilespmem:s11+$0xFFFFFFFD ss:$0x81] =	vst.msk $0xff, v3  }
0x58: {  	s19 =	sadd.s32 $0x40, s17;
	v3 =	vld.msk [tilespmem:s20+$0x8], $0xff  }
0x59: {  	[tilespmem:s12+$0xFFFFFFFC ss:$0x81] =	vst.msk $0xff, v1;
	v1 =	vld.msk [tilespmem:s19+$0xFFFFFFE0], $0xff  }
0x5a: {  	v4 =	vld.msk [tilespmem:s13+$0x0], $0xff  }
0x5b: {  	[tilespmem:s14+$0xFFFFFFFB ss:$0x81] =	vst.msk $0xff, v2  }
0x5c: {  	v2 =	vld.msk [tilespmem:s15+$0xFFFFFFF8], $0xff;
	[tilespmem:s16+$0xFFFFFFFA ss:$0x81] =	vst.msk $0xff, v0  }
0x5d: {  	s18 =	sadd.s32 $0x8, s16;
	v0 =	vld.msk [tilespmem:s17+$0xFFFFFFF0], $0xff;
	[tilespmem:s11+$0xFFFFFFFE ss:$0x81] =	vst.msk $0xff, v3  }
0x5e: {  	[tilespmem:s18+$0xFFFFFFF9 ss:$0x81] =	vst.msk $0xff, v1;
	v1 =	vld.msk [tilespmem:s20+$0x10], $0xff  }
0x5f: {  	[tilespmem:s12+$0xFFFFFFFD ss:$0x81] =	vst.msk $0xff, v4;
	v3 =	vld.msk [tilespmem:s19+$0xFFFFFFE8], $0xff  }
0x60: {  	s21 =	sadd.s32 $0x40, s19;
	v4 =	vld.msk [tilespmem:s13+$0x8], $0xff  }
0x61: {  	[tilespmem:s14+$0xFFFFFFFC ss:$0x81] =	vst.msk $0xff, v2;
	v2 =	vld.msk [tilespmem:s21+$0xFFFFFFE0], $0xff  }
0x62: {  	v5 =	vld.msk [tilespmem:s15+$0x0], $0xff;
	[tilespmem:s16+$0xFFFFFFFB ss:$0x81] =	vst.msk $0xff, v0  }
0x63: {  	v6 =	vld.msk [tilespmem:s17+$0xFFFFFFF8], $0xff;
	[tilespmem:s11+$0xFFFFFFFF ss:$0x81] =	vst.msk $0xff, v1  }
0x64: {  	s22 =	sand.u32 $0x1, s9;
	[tilespmem:s18+$0xFFFFFFFA ss:$0x81] =	vst.msk $0xff, v3;
	v0 =	vld.msk [tilespmem:s20+$0x18], $0xff  }
0x65: {  	s22 =	smul.u32 $0x1020, s22;
	[tilespmem:s12+$0xFFFFFFFE ss:$0x81] =	vst.msk $0xff, v4;
	v3 =	vld.msk [tilespmem:s19+$0xFFFFFFF0], $0xff;
	s20 =	sadd.s32 $0x8, s18  }
0x66: {  	v1 =	vld.msk [tilespmem:s13+$0x10], $0xff;
	[tilespmem:s20+$0xFFFFFFF9 ss:$0x81] =	vst.msk $0xff, v2  }
0x67: {  	s22 =	sshrl.u32 s22, $0x2;
	[tilespmem:s14+$0xFFFFFFFD ss:$0x81] =	vst.msk $0xff, v5;
	v4 =	vld.msk [tilespmem:s21+$0xFFFFFFE8], $0xff  }
0x68: {  	s23 =	simm.s32 $0x28;
	s22 =	sor.u32 $0x800, s22;
	s24 =	sadd.s32 $0x40, s21;
	v2 =	vld.msk [tilespmem:s15+$0x8], $0xff;
	[tilespmem:s16+$0xFFFFFFFC ss:$0x81] =	vst.msk $0xff, v6  }
.LBB1_3:
0x69: {  	v5 =	vld.msk [tilespmem:s24+$0xFFFFFFE0], $0xff;
	[tilespmem:s11+$0x0 ss:$0x81] =	vst.msk $0xff, v0;
	s11 =	smov.u32 s12;
	s12 =	smov.u32 s14;
	s14 =	smov.u32 s16  }
0x6a: {  	s23 =	sadd.s32 $0x8, s23;
	s16 =	smov.u32 s18;
	[tilespmem:s18+$0xFFFFFFFB ss:$0x81] =	vst.msk $0xff, v3;
	v6 =	vld.msk [tilespmem:s17+$0x0], $0xff;
	s18 =	smov.u32 s20  }
0x6b: {  	p1 =	slt.u32 s23, $0x78;
	v7 =	vld.msk [tilespmem:s19+$0xFFFFFFF8], $0xff;
	[tilespmem:s11+$0xFFFFFFFF ss:$0x81] =	vst.msk $0xff, v1  }
.Ltmp3:
0x6c: {  	[tilespmem:s20+$0xFFFFFFFA ss:$0x81] =	vst.msk $0xff, v4;
	v0 =	vld.msk [tilespmem:s13+$0x18], $0xff;
	s13 =	smov.u32 s15;
	s15 =	smov.u32 s17;
	(pc) =	sbr.rel @p1 .LBB1_3-.Ltmp3, $4  }
0x6d: {  	s20 =	sadd.s32 $0x8, s20;
	s17 =	smov.u32 s19;
	s19 =	smov.u32 s21;
	v3 =	vld.msk [tilespmem:s21+$0xFFFFFFF0], $0xff;
	[tilespmem:s12+$0xFFFFFFFE ss:$0x81] =	vst.msk $0xff, v2  }
0x6e: {  	s21 =	smov.u32 s24;
	[tilespmem:s20+$0xFFFFFFF9 ss:$0x81] =	vst.msk $0xff, v5;
	v1 =	vld.msk [tilespmem:s13+$0x10], $0xff  }
0x6f: {  	v4 =	vld.msk [tilespmem:s24+$0xFFFFFFE8], $0xff;
	[tilespmem:s14+$0xFFFFFFFD ss:$0x81] =	vst.msk $0xff, v6  }
0x70: {  	s24 =	sadd.s32 $0x40, s24;
	[tilespmem:s16+$0xFFFFFFFC ss:$0x81] =	vst.msk $0xff, v7;
	v2 =	vld.msk [tilespmem:s15+$0x8], $0xff  }
.Ltmp4:
0x71: {  	_ = 	snop;
	(pc) =	sbr.rel .LBB1_4-.Ltmp4, $1  }
0x72: {  	_ =	sdelay $0x3  }
.LBB1_6:
0x73: {  	_ =	sfence.sel $0x180000  }
0x74: {  	s2 =	simm.s32 $0x1;
	[bflag:$0x0] =	sbarrier.arrive $0xFFFF  }
0x75: {  	s31 =	simm.s32 $0x2;
	[sflag:s2] =	ssyncpa.u1 $0x1  }
0x76: {  	[sflag:s31] =	ssyncpa.u1 $0x1  }
0x77: {  	p0 =	sne.s32 s0, $0x0;
	_ =	strace $0x9000004A  }
0x78: {  	s0 =	sadd.s32 @!p0 $0x100000, s1;
	[bflag:$0x2] =	sbarrier.arrive $0xFFFF  }
0x79: {  	[sflag:s0] =	ssyncadd.tile.s32 @!p0 $0x1;
	_ =	shalt  }
.Lfunc_end1:
_tile_overlayer_lowered:
.L_overlay_start_2:
0x7a: {  	(tag) =	ssettag $0x2  }
0x7b: {  	s0 =	rddreg [dreg:$0x0];
	s2 =	stileid.u32  }
0x7c: {  	s1 =	rddreg [dreg:$0x1];
	p0 =	sne.s32 s2, $0x0  }
0x7d: {  	s3 =	rddreg [dreg:$0x2];
	[bflag:$0x3] =	sbarrier.arrive $0xFFFF;
	s2 =	simm.s32 @!p0 $0x1C01  }
0x7e: {  	[timem:s3], [sflag:s2] =	dma.local @!p0 [hbm:s0], s1  }
0x7f: {  	s0 =	simm.s32 @!p0 $0x1  }
0x80: {  	_ =	swait.ge @!p0 [sflag:s0], s1  }
0x81: {  	s1 =	ssub.s32 @!p0 $0x0, s1;
	[sflag:s0] =	ssyncset.done @!p0 $0x0  }
0x82: {  	[sflag:s0] =	ssyncadd.s32 @!p0 s1  }
0x83: {  	[bflag:$0x3] =	sbarrier.arrive $0xFFFF  }
0x84: {  	_ =	shalt  }

</sc_bundles>
